<compile_context>
chip_gen: v7x
topology: tpu7x:2x2x1
jax: 0.10.2.dev20260603
libtpu: 0.0.44.dev20260713+nightly
codegen_flags: <defaults>
</compile_context>

<pallas_src>
import functools

import jax
import jax.numpy as jnp
import numpy as np
from jax import lax
from jax.experimental import pallas as pl
from jax.experimental.pallas import tpu as pltpu
from jax.experimental.pallas import tpu_sc as plsc

_B, _C, _T = 4, 1024, 4096

_masked_channels = np.array([
    31, 35, 45, 85, 99, 112, 121, 130, 139, 144, 148, 152, 176, 179, 188,
    189, 197, 257, 263, 268, 304, 309, 312, 315, 318, 325, 356, 366, 398,
    409, 410, 429, 446, 448, 462, 480, 487, 493, 495, 499, 501, 507, 516,
    517, 518, 520, 532, 538, 541, 543, 544, 552, 557, 567, 569, 575, 577,
    582, 591, 602, 605, 617, 649, 659, 707, 709, 712, 739, 748, 750, 753,
    762, 768, 780, 787, 790, 793, 799, 842, 846, 848, 854, 857, 864, 879,
    883, 893, 895, 901, 914, 934, 942, 955, 957, 973, 976, 981, 984, 999,
    1001, 1005, 1016], dtype=np.int64)

_NW = 32
_ROWS_PER_W = (_B * _C) // _NW
_CHUNK = 4
_NCHUNKS = _ROWS_PER_W // _CHUNK
_SLOTS = 6
_LOOKAHEAD = 3
_ZWAVE = 4
_MAX_WAVES = 5

_zidx_np = np.zeros((_NW, _MAX_WAVES, _ZWAVE), dtype=np.int32)
_wave_counts = []
for _w in range(_NW):
    _lo = _w * _ROWS_PER_W
    _b = _lo // _C
    _rows = [_b * _C + int(c) for c in _masked_channels
             if _lo <= _b * _C + int(c) < _lo + _ROWS_PER_W]
    _n_waves = -(-len(_rows) // _ZWAVE)
    assert 0 < _n_waves <= _MAX_WAVES
    _wave_counts.append(_n_waves)
    _padded = (_rows + [_rows[0]] * (_MAX_WAVES * _ZWAVE))[:_MAX_WAVES * _ZWAVE]
    _zidx_np[_w] = np.asarray(_padded, np.int32).reshape(_MAX_WAVES, _ZWAVE)
assert _wave_counts[:8] == _wave_counts[8:16] == _wave_counts[16:24] == _wave_counts[24:]
_PACKED_WAVES = 0
for _o in range(8):
    assert _wave_counts[_o] < 8
    _PACKED_WAVES |= _wave_counts[_o] << (3 * _o)

_mesh = plsc.VectorSubcoreMesh(core_axis_name="c", subcore_axis_name="s")


@functools.partial(
    pl.kernel,
    mesh=_mesh,
    out_type=jax.ShapeDtypeStruct((_B * _C, _T), jnp.float32),
    scratch_types=(
        [pltpu.VMEM((_CHUNK, _T), jnp.float32)] * _SLOTS
        + [pltpu.VMEM((_ZWAVE, _T), jnp.float32),
           pltpu.VMEM((_MAX_WAVES, _ZWAVE), jnp.int32)]
        + [pltpu.SemaphoreType.DMA] * (2 * _SLOTS)
    ),
)
def _sc_masked_copy(x_hbm, zidx_hbm, zeros_hbm, out_hbm, *scratch):
    bufs = scratch[:_SLOTS]
    zsrc = scratch[_SLOTS]
    zidx_v = scratch[_SLOTS + 1]
    sem_in = scratch[_SLOTS + 2:2 * _SLOTS + 2]
    sem_out = scratch[2 * _SLOTS + 2:]
    wid = lax.axis_index("s") * 2 + lax.axis_index("c")
    base = wid * _ROWS_PER_W
    n_waves = lax.shift_right_logical(
        jnp.int32(_PACKED_WAVES), 3 * lax.rem(wid, 8)) & 7
    pltpu.sync_copy(zidx_hbm.at[wid], zidx_v)
    pltpu.sync_copy(zeros_hbm, zsrc)
    in_h = [None] * _SLOTS
    out_h = [None] * _SLOTS

    def _rows(k):
        return pl.ds(base + k * _CHUNK, _CHUNK)

    for k in range(_LOOKAHEAD):
        s = k % _SLOTS
        in_h[s] = pltpu.async_copy(x_hbm.at[_rows(k)], bufs[s], sem_in[s])
    for k in range(_NCHUNKS):
        s = k % _SLOTS
        in_h[s].wait()
        out_h[s] = pltpu.async_copy(bufs[s], out_hbm.at[_rows(k)], sem_out[s])
        kn = k + _LOOKAHEAD
        if kn < _NCHUNKS:
            t = kn % _SLOTS
            if out_h[t] is not None:
                out_h[t].wait()
            in_h[t] = pltpu.async_copy(x_hbm.at[_rows(kn)], bufs[t], sem_in[t])
    for h in out_h:
        if h is not None:
            h.wait()
    for j in range(_MAX_WAVES):
        @pl.when(j < n_waves)
        def _():
            pltpu.sync_copy(zsrc, out_hbm.at[zidx_v.at[j]])


def kernel(x):
    B, C, T = x.shape
    x2 = x.reshape(B * C, T)
    zidx = jnp.asarray(_zidx_np)
    zeros = jnp.zeros((_ZWAVE, T), jnp.float32)
    out = _sc_masked_copy(x2, zidx, zeros)
    return out.reshape(B, C, T)

# --- scband reference (transcript-rebuilt; emitter-appended) ---
"""Pipeline reference for scband-channel-mask-6004364279951 (READ-ONLY COPY).

The authoritative reference and input builder live on the scoring server;
editing this copy changes nothing except your own understanding.
"""

import jax, jax.numpy as jnp
import numpy as np

RATIO = 0.1

def setup_inputs(seed: int = 0) -> dict:
    key = jax.random.key(seed)
    x = jax.random.normal(key, (4, 1024, 4096), dtype=jnp.float32)
    return {"x": x}

def reference(x):
    # ChannelMask.forward in training mode: zero out a random subset of channels.
    # torch.randperm(C)[:num_mask] -> jax.random.permutation with a fixed key for determinism.
    B, C, T = x.shape
    num_mask = int(C * RATIO)
    mask_key = jax.random.key(42)
    perm = jax.random.permutation(mask_key, C)
    mask_indices = perm[:num_mask]
    x = x.at[:, mask_indices, :].set(0.0)
    return x

if __name__ == "__main__":
    import jax
    _d = setup_inputs()
    print(jax.jit(kernel)(*tuple(_d.values())))

</pallas_src>

<mosaic_0001>
#map = affine_map<(d0, d1) -> (0, 0)>
#map1 = affine_map<(d0, d1) -> (0, 0, 0)>
module attributes {stable_mosaic.version = 14 : i64} {
  func.func @_sc_masked_copy(%arg0: i32, %arg1: i32, %arg2: memref<4096x4096xf32, #tpu.memory_space<hbm>>, %arg3: memref<32x5x4xi32, #tpu.memory_space<hbm>>, %arg4: memref<4x4096xf32, #tpu.memory_space<hbm>>, %arg5: memref<4096x4096xf32, #tpu.memory_space<hbm>>, %arg6: memref<4x4096xf32, #tpu.memory_space<vmem>>, %arg7: memref<4x4096xf32, #tpu.memory_space<vmem>>, %arg8: memref<4x4096xf32, #tpu.memory_space<vmem>>, %arg9: memref<4x4096xf32, #tpu.memory_space<vmem>>, %arg10: memref<4x4096xf32, #tpu.memory_space<vmem>>, %arg11: memref<4x4096xf32, #tpu.memory_space<vmem>>, %arg12: memref<4x4096xf32, #tpu.memory_space<vmem>>, %arg13: memref<5x4xi32, #tpu.memory_space<vmem>>, %arg14: memref<!tpu.dma_semaphore, #tpu.memory_space<semaphore_mem>>, %arg15: memref<!tpu.dma_semaphore, #tpu.memory_space<semaphore_mem>>, %arg16: memref<!tpu.dma_semaphore, #tpu.memory_space<semaphore_mem>>, %arg17: memref<!tpu.dma_semaphore, #tpu.memory_space<semaphore_mem>>, %arg18: memref<!tpu.dma_semaphore, #tpu.memory_space<semaphore_mem>>, %arg19: memref<!tpu.dma_semaphore, #tpu.memory_space<semaphore_mem>>, %arg20: memref<!tpu.dma_semaphore, #tpu.memory_space<semaphore_mem>>, %arg21: memref<!tpu.dma_semaphore, #tpu.memory_space<semaphore_mem>>, %arg22: memref<!tpu.dma_semaphore, #tpu.memory_space<semaphore_mem>>, %arg23: memref<!tpu.dma_semaphore, #tpu.memory_space<semaphore_mem>>, %arg24: memref<!tpu.dma_semaphore, #tpu.memory_space<semaphore_mem>>, %arg25: memref<!tpu.dma_semaphore, #tpu.memory_space<semaphore_mem>>) attributes {dimension_semantics = [#tpu.dimension_semantics<core_parallel>, #tpu.dimension_semantics<subcore_parallel>], iteration_bounds = array<i64: 2, 16>, scalar_prefetch = 0 : i64, scratch_operands = 20 : i64, tpu.core_type = #tpu.core_type<sc_vector_subcore>, window_params = [{transform_indices = #map}, {transform_indices = #map1}, {transform_indices = #map}, {transform_indices = #map}]} {
    %mul3A = arith.constant 2 : i32
    %mul3A_0 = arith.muli %arg1, %mul3A : i32
    %add3A = arith.addi %mul3A_0, %arg0 : i32
    %mul3A_1 = arith.constant 128 : i32
    %mul3A_2 = arith.muli %add3A, %mul3A_1 : i32
    %rem3A = arith.constant 8 : i32
    %rem3A_3 = arith.remsi %add3A, %rem3A : i32
    %mul3A_4 = arith.constant 3 : i32
    %mul3A_5 = arith.muli %mul3A_4, %rem3A_3 : i32
    %shift_right_logical3A = arith.constant 9558234 : i32
    %shift_right_logical3A_6 = arith.shrui %shift_right_logical3A, %mul3A_5 : i32
    %and3A = arith.constant 7 : i32
    %and3A_7 = arith.andi %shift_right_logical3A_6, %and3A : i32
    "tpu.region"() ({
      %run_scoped3A = tpu.sem_alloc : memref<!tpu.dma_semaphore, #tpu.memory_space<semaphore_mem>>
      %dma_start3A_668 = arith.constant 0 : i32
      %dma_start3A_669 = arith.constant 0 : i32
      %dma_start3A_670 = tpu.memref_slice %arg3[%add3A, %dma_start3A_668, %dma_start3A_669] : memref<32x5x4xi32, #tpu.memory_space<hbm>> -> memref<1x5x4xi32, #tpu.memory_space<hbm>>
      %dma_start3A_671 = tpu.memref_squeeze %dma_start3A_670 : memref<1x5x4xi32, #tpu.memory_space<hbm>> -> memref<5x4xi32, #tpu.memory_space<hbm>>
      %dma_start3A_672 = arith.constant 0 : i32
      %dma_start3A_673 = arith.constant 0 : i32
      %dma_start3A_674 = tpu.memref_slice %arg3[%add3A, %dma_start3A_672, %dma_start3A_673] : memref<32x5x4xi32, #tpu.memory_space<hbm>> -> memref<1x5x4xi32, #tpu.memory_space<hbm>>
      %dma_start3A_675 = tpu.memref_squeeze %dma_start3A_674 : memref<1x5x4xi32, #tpu.memory_space<hbm>> -> memref<5x4xi32, #tpu.memory_space<hbm>>
      tpu.enqueue_dma source(%dma_start3A_675 : memref<5x4xi32, #tpu.memory_space<hbm>>) target(%arg13 : memref<5x4xi32, #tpu.memory_space<vmem>>) target_semaphore(%run_scoped3A : memref<!tpu.dma_semaphore, #tpu.memory_space<semaphore_mem>>)
      %dma_wait3A_676 = arith.constant 0 : i32
      %dma_wait3A_677 = arith.constant 0 : i32
      %dma_wait3A_678 = tpu.memref_slice %arg3[%add3A, %dma_wait3A_676, %dma_wait3A_677] : memref<32x5x4xi32, #tpu.memory_space<hbm>> -> memref<1x5x4xi32, #tpu.memory_space<hbm>>
      %dma_wait3A_679 = tpu.memref_squeeze %dma_wait3A_678 : memref<1x5x4xi32, #tpu.memory_space<hbm>> -> memref<5x4xi32, #tpu.memory_space<hbm>>
      %dma_wait3A_680 = arith.constant 0 : i32
      %dma_wait3A_681 = arith.constant 0 : i32
      %dma_wait3A_682 = tpu.memref_slice %arg3[%add3A, %dma_wait3A_680, %dma_wait3A_681] : memref<32x5x4xi32, #tpu.memory_space<hbm>> -> memref<1x5x4xi32, #tpu.memory_space<hbm>>
      %dma_wait3A_683 = tpu.memref_squeeze %dma_wait3A_682 : memref<1x5x4xi32, #tpu.memory_space<hbm>> -> memref<5x4xi32, #tpu.memory_space<hbm>>
      tpu.wait_dma2 semaphore(%run_scoped3A : memref<!tpu.dma_semaphore, #tpu.memory_space<semaphore_mem>>) src(%dma_wait3A_683 : memref<5x4xi32, #tpu.memory_space<hbm>>) dst(%arg13 : memref<5x4xi32, #tpu.memory_space<vmem>>)
      tpu.yield
    }) : () -> ()
    "tpu.region"() ({
      %run_scoped3A = tpu.sem_alloc : memref<!tpu.dma_semaphore, #tpu.memory_space<semaphore_mem>>
      tpu.enqueue_dma source(%arg4 : memref<4x4096xf32, #tpu.memory_space<hbm>>) target(%arg12 : memref<4x4096xf32, #tpu.memory_space<vmem>>) target_semaphore(%run_scoped3A : memref<!tpu.dma_semaphore, #tpu.memory_space<semaphore_mem>>)
      tpu.wait_dma2 semaphore(%run_scoped3A : memref<!tpu.dma_semaphore, #tpu.memory_space<semaphore_mem>>) src(%arg4 : memref<4x4096xf32, #tpu.memory_space<hbm>>) dst(%arg12 : memref<4x4096xf32, #tpu.memory_space<vmem>>)
      tpu.yield
    }) : () -> ()
    %add3A_8 = arith.constant 0 : i32
    %add3A_9 = arith.addi %mul3A_2, %add3A_8 : i32
    %dma_start3A = arith.constant 0 : i32
    %dma_start3A_10 = tpu.memref_slice %arg2[%add3A_9, %dma_start3A] : memref<4096x4096xf32, #tpu.memory_space<hbm>> -> memref<4x4096xf32, #tpu.memory_space<hbm>>
    %dma_start3A_11 = arith.constant 0 : i32
    %dma_start3A_12 = tpu.memref_slice %arg2[%add3A_9, %dma_start3A_11] : memref<4096x4096xf32, #tpu.memory_space<hbm>> -> memref<4x4096xf32, #tpu.memory_space<hbm>>
    tpu.enqueue_dma source(%dma_start3A_12 : memref<4x4096xf32, #tpu.memory_space<hbm>>) target(%arg6 : memref<4x4096xf32, #tpu.memory_space<vmem>>) target_semaphore(%arg14 : memref<!tpu.dma_semaphore, #tpu.memory_space<semaphore_mem>>)
    %add3A_13 = arith.constant 4 : i32
    %add3A_14 = arith.addi %mul3A_2, %add3A_13 : i32
    %dma_start3A_15 = arith.constant 0 : i32
    %dma_start3A_16 = tpu.memref_slice %arg2[%add3A_14, %dma_start3A_15] : memref<4096x4096xf32, #tpu.memory_space<hbm>> -> memref<4x4096xf32, #tpu.memory_space<hbm>>
    %dma_start3A_17 = arith.constant 0 : i32
    %dma_start3A_18 = tpu.memref_slice %arg2[%add3A_14, %dma_start3A_17] : memref<4096x4096xf32, #tpu.memory_space<hbm>> -> memref<4x4096xf32, #tpu.memory_space<hbm>>
    tpu.enqueue_dma source(%dma_start3A_18 : memref<4x4096xf32, #tpu.memory_space<hbm>>) target(%arg7 : memref<4x4096xf32, #tpu.memory_space<vmem>>) target_semaphore(%arg15 : memref<!tpu.dma_semaphore, #tpu.memory_space<semaphore_mem>>)
    %add3A_19 = arith.constant 8 : i32
    %add3A_20 = arith.addi %mul3A_2, %add3A_19 : i32
    %dma_start3A_21 = arith.constant 0 : i32
    %dma_start3A_22 = tpu.memref_slice %arg2[%add3A_20, %dma_start3A_21] : memref<4096x4096xf32, #tpu.memory_space<hbm>> -> memref<4x4096xf32, #tpu.memory_space<hbm>>
    %dma_start3A_23 = arith.constant 0 : i32
    %dma_start3A_24 = tpu.memref_slice %arg2[%add3A_20, %dma_start3A_23] : memref<4096x4096xf32, #tpu.memory_space<hbm>> -> memref<4x4096xf32, #tpu.memory_space<hbm>>
    tpu.enqueue_dma source(%dma_start3A_24 : memref<4x4096xf32, #tpu.memory_space<hbm>>) target(%arg8 : memref<4x4096xf32, #tpu.memory_space<vmem>>) target_semaphore(%arg16 : memref<!tpu.dma_semaphore, #tpu.memory_space<semaphore_mem>>)
    %dma_wait3A = arith.constant 0 : i32
    %dma_wait3A_25 = tpu.memref_slice %arg2[%add3A_9, %dma_wait3A] : memref<4096x4096xf32, #tpu.memory_space<hbm>> -> memref<4x4096xf32, #tpu.memory_space<hbm>>
    %dma_wait3A_26 = arith.constant 0 : i32
    %dma_wait3A_27 = tpu.memref_slice %arg2[%add3A_9, %dma_wait3A_26] : memref<4096x4096xf32, #tpu.memory_space<hbm>> -> memref<4x4096xf32, #tpu.memory_space<hbm>>
    tpu.wait_dma2 semaphore(%arg14 : memref<!tpu.dma_semaphore, #tpu.memory_space<semaphore_mem>>) src(%dma_wait3A_27 : memref<4x4096xf32, #tpu.memory_space<hbm>>) dst(%arg6 : memref<4x4096xf32, #tpu.memory_space<vmem>>)
    %add3A_28 = arith.constant 0 : i32
    %add3A_29 = arith.addi %mul3A_2, %add3A_28 : i32
    %dma_start3A_30 = arith.constant 0 : i32
    %dma_start3A_31 = tpu.memref_slice %arg5[%add3A_29, %dma_start3A_30] : memref<4096x4096xf32, #tpu.memory_space<hbm>> -> memref<4x4096xf32, #tpu.memory_space<hbm>>
    %dma_start3A_32 = arith.constant 0 : i32
    %dma_start3A_33 = tpu.memref_slice %arg5[%add3A_29, %dma_start3A_32] : memref<4096x4096xf32, #tpu.memory_space<hbm>> -> memref<4x4096xf32, #tpu.memory_space<hbm>>
    tpu.enqueue_dma source(%arg6 : memref<4x4096xf32, #tpu.memory_space<vmem>>) target(%dma_start3A_33 : memref<4x4096xf32, #tpu.memory_space<hbm>>) target_semaphore(%arg20 : memref<!tpu.dma_semaphore, #tpu.memory_space<semaphore_mem>>)
    %add3A_34 = arith.constant 12 : i32
    %add3A_35 = arith.addi %mul3A_2, %add3A_34 : i32
    %dma_start3A_36 = arith.constant 0 : i32
    %dma_start3A_37 = tpu.memref_slice %arg2[%add3A_35, %dma_start3A_36] : memref<4096x4096xf32, #tpu.memory_space<hbm>> -> memref<4x4096xf32, #tpu.memory_space<hbm>>
    %dma_start3A_38 = arith.constant 0 : i32
    %dma_start3A_39 = tpu.memref_slice %arg2[%add3A_35, %dma_start3A_38] : memref<4096x4096xf32, #tpu.memory_space<hbm>> -> memref<4x4096xf32, #tpu.memory_space<hbm>>
    tpu.enqueue_dma source(%dma_start3A_39 : memref<4x4096xf32, #tpu.memory_space<hbm>>) target(%arg9 : memref<4x4096xf32, #tpu.memory_space<vmem>>) target_semaphore(%arg17 : memref<!tpu.dma_semaphore, #tpu.memory_space<semaphore_mem>>)
    %dma_wait3A_40 = arith.constant 0 : i32
    %dma_wait3A_41 = tpu.memref_slice %arg2[%add3A_14, %dma_wait3A_40] : memref<4096x4096xf32, #tpu.memory_space<hbm>> -> memref<4x4096xf32, #tpu.memory_space<hbm>>
    %dma_wait3A_42 = arith.constant 0 : i32
    %dma_wait3A_43 = tpu.memref_slice %arg2[%add3A_14, %dma_wait3A_42] : memref<4096x4096xf32, #tpu.memory_space<hbm>> -> memref<4x4096xf32, #tpu.memory_space<hbm>>
    tpu.wait_dma2 semaphore(%arg15 : memref<!tpu.dma_semaphore, #tpu.memory_space<semaphore_mem>>) src(%dma_wait3A_43 : memref<4x4096xf32, #tpu.memory_space<hbm>>) dst(%arg7 : memref<4x4096xf32, #tpu.memory_space<vmem>>)
    %add3A_44 = arith.constant 4 : i32
    %add3A_45 = arith.addi %mul3A_2, %add3A_44 : i32
    %dma_start3A_46 = arith.constant 0 : i32
    %dma_start3A_47 = tpu.memref_slice %arg5[%add3A_45, %dma_start3A_46] : memref<4096x4096xf32, #tpu.memory_space<hbm>> -> memref<4x4096xf32, #tpu.memory_space<hbm>>
    %dma_start3A_48 = arith.constant 0 : i32
    %dma_start3A_49 = tpu.memref_slice %arg5[%add3A_45, %dma_start3A_48] : memref<4096x4096xf32, #tpu.memory_space<hbm>> -> memref<4x4096xf32, #tpu.memory_space<hbm>>
    tpu.enqueue_dma source(%arg7 : memref<4x4096xf32, #tpu.memory_space<vmem>>) target(%dma_start3A_49 : memref<4x4096xf32, #tpu.memory_space<hbm>>) target_semaphore(%arg21 : memref<!tpu.dma_semaphore, #tpu.memory_space<semaphore_mem>>)
    %add3A_50 = arith.constant 16 : i32
    %add3A_51 = arith.addi %mul3A_2, %add3A_50 : i32
    %dma_start3A_52 = arith.constant 0 : i32
    %dma_start3A_53 = tpu.memref_slice %arg2[%add3A_51, %dma_start3A_52] : memref<4096x4096xf32, #tpu.memory_space<hbm>> -> memref<4x4096xf32, #tpu.memory_space<hbm>>
    %dma_start3A_54 = arith.constant 0 : i32
    %dma_start3A_55 = tpu.memref_slice %arg2[%add3A_51, %dma_start3A_54] : memref<4096x4096xf32, #tpu.memory_space<hbm>> -> memref<4x4096xf32, #tpu.memory_space<hbm>>
    tpu.enqueue_dma source(%dma_start3A_55 : memref<4x4096xf32, #tpu.memory_space<hbm>>) target(%arg10 : memref<4x4096xf32, #tpu.memory_space<vmem>>) target_semaphore(%arg18 : memref<!tpu.dma_semaphore, #tpu.memory_space<semaphore_mem>>)
    %dma_wait3A_56 = arith.constant 0 : i32
    %dma_wait3A_57 = tpu.memref_slice %arg2[%add3A_20, %dma_wait3A_56] : memref<4096x4096xf32, #tpu.memory_space<hbm>> -> memref<4x4096xf32, #tpu.memory_space<hbm>>
    %dma_wait3A_58 = arith.constant 0 : i32
    %dma_wait3A_59 = tpu.memref_slice %arg2[%add3A_20, %dma_wait3A_58] : memref<4096x4096xf32, #tpu.memory_space<hbm>> -> memref<4x4096xf32, #tpu.memory_space<hbm>>
    tpu.wait_dma2 semaphore(%arg16 : memref<!tpu.dma_semaphore, #tpu.memory_space<semaphore_mem>>) src(%dma_wait3A_59 : memref<4x4096xf32, #tpu.memory_space<hbm>>) dst(%arg8 : memref<4x4096xf32, #tpu.memory_space<vmem>>)
    %add3A_60 = arith.constant 8 : i32
    %add3A_61 = arith.addi %mul3A_2, %add3A_60 : i32
    %dma_start3A_62 = arith.constant 0 : i32
    %dma_start3A_63 = tpu.memref_slice %arg5[%add3A_61, %dma_start3A_62] : memref<4096x4096xf32, #tpu.memory_space<hbm>> -> memref<4x4096xf32, #tpu.memory_space<hbm>>
    %dma_start3A_64 = arith.constant 0 : i32
    %dma_start3A_65 = tpu.memref_slice %arg5[%add3A_61, %dma_start3A_64] : memref<4096x4096xf32, #tpu.memory_space<hbm>> -> memref<4x4096xf32, #tpu.memory_space<hbm>>
    tpu.enqueue_dma source(%arg8 : memref<4x4096xf32, #tpu.memory_space<vmem>>) target(%dma_start3A_65 : memref<4x4096xf32, #tpu.memory_space<hbm>>) target_semaphore(%arg22 : memref<!tpu.dma_semaphore, #tpu.memory_space<semaphore_mem>>)
    %add3A_66 = arith.constant 20 : i32
    %add3A_67 = arith.addi %mul3A_2, %add3A_66 : i32
    %dma_start3A_68 = arith.constant 0 : i32
    %dma_start3A_69 = tpu.memref_slice %arg2[%add3A_67, %dma_start3A_68] : memref<4096x4096xf32, #tpu.memory_space<hbm>> -> memref<4x4096xf32, #tpu.memory_space<hbm>>
    %dma_start3A_70 = arith.constant 0 : i32
    %dma_start3A_71 = tpu.memref_slice %arg2[%add3A_67, %dma_start3A_70] : memref<4096x4096xf32, #tpu.memory_space<hbm>> -> memref<4x4096xf32, #tpu.memory_space<hbm>>
    tpu.enqueue_dma source(%dma_start3A_71 : memref<4x4096xf32, #tpu.memory_space<hbm>>) target(%arg11 : memref<4x4096xf32, #tpu.memory_space<vmem>>) target_semaphore(%arg19 : memref<!tpu.dma_semaphore, #tpu.memory_space<semaphore_mem>>)
    %dma_wait3A_72 = arith.constant 0 : i32
    %dma_wait3A_73 = tpu.memref_slice %arg2[%add3A_35, %dma_wait3A_72] : memref<4096x4096xf32, #tpu.memory_space<hbm>> -> memref<4x4096xf32, #tpu.memory_space<hbm>>
    %dma_wait3A_74 = arith.constant 0 : i32
    %dma_wait3A_75 = tpu.memref_slice %arg2[%add3A_35, %dma_wait3A_74] : memref<4096x4096xf32, #tpu.memory_space<hbm>> -> memref<4x4096xf32, #tpu.memory_space<hbm>>
    tpu.wait_dma2 semaphore(%arg17 : memref<!tpu.dma_semaphore, #tpu.memory_space<semaphore_mem>>) src(%dma_wait3A_75 : memref<4x4096xf32, #tpu.memory_space<hbm>>) dst(%arg9 : memref<4x4096xf32, #tpu.memory_space<vmem>>)
    %add3A_76 = arith.constant 12 : i32
    %add3A_77 = arith.addi %mul3A_2, %add3A_76 : i32
    %dma_start3A_78 = arith.constant 0 : i32
    %dma_start3A_79 = tpu.memref_slice %arg5[%add3A_77, %dma_start3A_78] : memref<4096x4096xf32, #tpu.memory_space<hbm>> -> memref<4x4096xf32, #tpu.memory_space<hbm>>
    %dma_start3A_80 = arith.constant 0 : i32
    %dma_start3A_81 = tpu.memref_slice %arg5[%add3A_77, %dma_start3A_80] : memref<4096x4096xf32, #tpu.memory_space<hbm>> -> memref<4x4096xf32, #tpu.memory_space<hbm>>
    tpu.enqueue_dma source(%arg9 : memref<4x4096xf32, #tpu.memory_space<vmem>>) target(%dma_start3A_81 : memref<4x4096xf32, #tpu.memory_space<hbm>>) target_semaphore(%arg23 : memref<!tpu.dma_semaphore, #tpu.memory_space<semaphore_mem>>)
    %dma_wait3A_82 = arith.constant 0 : i32
    %dma_wait3A_83 = tpu.memref_slice %arg5[%add3A_29, %dma_wait3A_82] : memref<4096x4096xf32, #tpu.memory_space<hbm>> -> memref<4x4096xf32, #tpu.memory_space<hbm>>
    %dma_wait3A_84 = arith.constant 0 : i32
    %dma_wait3A_85 = tpu.memref_slice %arg5[%add3A_29, %dma_wait3A_84] : memref<4096x4096xf32, #tpu.memory_space<hbm>> -> memref<4x4096xf32, #tpu.memory_space<hbm>>
    tpu.wait_dma2 semaphore(%arg20 : memref<!tpu.dma_semaphore, #tpu.memory_space<semaphore_mem>>) src(%arg6 : memref<4x4096xf32, #tpu.memory_space<vmem>>) dst(%dma_wait3A_85 : memref<4x4096xf32, #tpu.memory_space<hbm>>)
    %add3A_86 = arith.constant 24 : i32
    %add3A_87 = arith.addi %mul3A_2, %add3A_86 : i32
    %dma_start3A_88 = arith.constant 0 : i32
    %dma_start3A_89 = tpu.memref_slice %arg2[%add3A_87, %dma_start3A_88] : memref<4096x4096xf32, #tpu.memory_space<hbm>> -> memref<4x4096xf32, #tpu.memory_space<hbm>>
    %dma_start3A_90 = arith.constant 0 : i32
    %dma_start3A_91 = tpu.memref_slice %arg2[%add3A_87, %dma_start3A_90] : memref<4096x4096xf32, #tpu.memory_space<hbm>> -> memref<4x4096xf32, #tpu.memory_space<hbm>>
    tpu.enqueue_dma source(%dma_start3A_91 : memref<4x4096xf32, #tpu.memory_space<hbm>>) target(%arg6 : memref<4x4096xf32, #tpu.memory_space<vmem>>) target_semaphore(%arg14 : memref<!tpu.dma_semaphore, #tpu.memory_space<semaphore_mem>>)
    %dma_wait3A_92 = arith.constant 0 : i32
    %dma_wait3A_93 = tpu.memref_slice %arg2[%add3A_51, %dma_wait3A_92] : memref<4096x4096xf32, #tpu.memory_space<hbm>> -> memref<4x4096xf32, #tpu.memory_space<hbm>>
    %dma_wait3A_94 = arith.constant 0 : i32
    %dma_wait3A_95 = tpu.memref_slice %arg2[%add3A_51, %dma_wait3A_94] : memref<4096x4096xf32, #tpu.memory_space<hbm>> -> memref<4x4096xf32, #tpu.memory_space<hbm>>
    tpu.wait_dma2 semaphore(%arg18 : memref<!tpu.dma_semaphore, #tpu.memory_space<semaphore_mem>>) src(%dma_wait3A_95 : memref<4x4096xf32, #tpu.memory_space<hbm>>) dst(%arg10 : memref<4x4096xf32, #tpu.memory_space<vmem>>)
    %add3A_96 = arith.constant 16 : i32
    %add3A_97 = arith.addi %mul3A_2, %add3A_96 : i32
    %dma_start3A_98 = arith.constant 0 : i32
    %dma_start3A_99 = tpu.memref_slice %arg5[%add3A_97, %dma_start3A_98] : memref<4096x4096xf32, #tpu.memory_space<hbm>> -> memref<4x4096xf32, #tpu.memory_space<hbm>>
    %dma_start3A_100 = arith.constant 0 : i32
    %dma_start3A_101 = tpu.memref_slice %arg5[%add3A_97, %dma_start3A_100] : memref<4096x4096xf32, #tpu.memory_space<hbm>> -> memref<4x4096xf32, #tpu.memory_space<hbm>>
    tpu.enqueue_dma source(%arg10 : memref<4x4096xf32, #tpu.memory_space<vmem>>) target(%dma_start3A_101 : memref<4x4096xf32, #tpu.memory_space<hbm>>) target_semaphore(%arg24 : memref<!tpu.dma_semaphore, #tpu.memory_space<semaphore_mem>>)
    %dma_wait3A_102 = arith.constant 0 : i32
    %dma_wait3A_103 = tpu.memref_slice %arg5[%add3A_45, %dma_wait3A_102] : memref<4096x4096xf32, #tpu.memory_space<hbm>> -> memref<4x4096xf32, #tpu.memory_space<hbm>>
    %dma_wait3A_104 = arith.constant 0 : i32
    %dma_wait3A_105 = tpu.memref_slice %arg5[%add3A_45, %dma_wait3A_104] : memref<4096x4096xf32, #tpu.memory_space<hbm>> -> memref<4x4096xf32, #tpu.memory_space<hbm>>
    tpu.wait_dma2 semaphore(%arg21 : memref<!tpu.dma_semaphore, #tpu.memory_space<semaphore_mem>>) src(%arg7 : memref<4x4096xf32, #tpu.memory_space<vmem>>) dst(%dma_wait3A_105 : memref<4x4096xf32, #tpu.memory_space<hbm>>)
    %add3A_106 = arith.constant 28 : i32
    %add3A_107 = arith.addi %mul3A_2, %add3A_106 : i32
    %dma_start3A_108 = arith.constant 0 : i32
    %dma_start3A_109 = tpu.memref_slice %arg2[%add3A_107, %dma_start3A_108] : memref<4096x4096xf32, #tpu.memory_space<hbm>> -> memref<4x4096xf32, #tpu.memory_space<hbm>>
    %dma_start3A_110 = arith.constant 0 : i32
    %dma_start3A_111 = tpu.memref_slice %arg2[%add3A_107, %dma_start3A_110] : memref<4096x4096xf32, #tpu.memory_space<hbm>> -> memref<4x4096xf32, #tpu.memory_space<hbm>>
    tpu.enqueue_dma source(%dma_start3A_111 : memref<4x4096xf32, #tpu.memory_space<hbm>>) target(%arg7 : memref<4x4096xf32, #tpu.memory_space<vmem>>) target_semaphore(%arg15 : memref<!tpu.dma_semaphore, #tpu.memory_space<semaphore_mem>>)
    %dma_wait3A_112 = arith.constant 0 : i32
    %dma_wait3A_113 = tpu.memref_slice %arg2[%add3A_67, %dma_wait3A_112] : memref<4096x4096xf32, #tpu.memory_space<hbm>> -> memref<4x4096xf32, #tpu.memory_space<hbm>>
    %dma_wait3A_114 = arith.constant 0 : i32
    %dma_wait3A_115 = tpu.memref_slice %arg2[%add3A_67, %dma_wait3A_114] : memref<4096x4096xf32, #tpu.memory_space<hbm>> -> memref<4x4096xf32, #tpu.memory_space<hbm>>
    tpu.wait_dma2 semaphore(%arg19 : memref<!tpu.dma_semaphore, #tpu.memory_space<semaphore_mem>>) src(%dma_wait3A_115 : memref<4x4096xf32, #tpu.memory_space<hbm>>) dst(%arg11 : memref<4x4096xf32, #tpu.memory_space<vmem>>)
    %add3A_116 = arith.constant 20 : i32
    %add3A_117 = arith.addi %mul3A_2, %add3A_116 : i32
    %dma_start3A_118 = arith.constant 0 : i32
    %dma_start3A_119 = tpu.memref_slice %arg5[%add3A_117, %dma_start3A_118] : memref<4096x4096xf32, #tpu.memory_space<hbm>> -> memref<4x4096xf32, #tpu.memory_space<hbm>>
    %dma_start3A_120 = arith.constant 0 : i32
    %dma_start3A_121 = tpu.memref_slice %arg5[%add3A_117, %dma_start3A_120] : memref<4096x4096xf32, #tpu.memory_space<hbm>> -> memref<4x4096xf32, #tpu.memory_space<hbm>>
    tpu.enqueue_dma source(%arg11 : memref<4x4096xf32, #tpu.memory_space<vmem>>) target(%dma_start3A_121 : memref<4x4096xf32, #tpu.memory_space<hbm>>) target_semaphore(%arg25 : memref<!tpu.dma_semaphore, #tpu.memory_space<semaphore_mem>>)
    %dma_wait3A_122 = arith.constant 0 : i32
    %dma_wait3A_123 = tpu.memref_slice %arg5[%add3A_61, %dma_wait3A_122] : memref<4096x4096xf32, #tpu.memory_space<hbm>> -> memref<4x4096xf32, #tpu.memory_space<hbm>>
    %dma_wait3A_124 = arith.constant 0 : i32
    %dma_wait3A_125 = tpu.memref_slice %arg5[%add3A_61, %dma_wait3A_124] : memref<4096x4096xf32, #tpu.memory_space<hbm>> -> memref<4x4096xf32, #tpu.memory_space<hbm>>
    tpu.wait_dma2 semaphore(%arg22 : memref<!tpu.dma_semaphore, #tpu.memory_space<semaphore_mem>>) src(%arg8 : memref<4x4096xf32, #tpu.memory_space<vmem>>) dst(%dma_wait3A_125 : memref<4x4096xf32, #tpu.memory_space<hbm>>)
    %add3A_126 = arith.constant 32 : i32
    %add3A_127 = arith.addi %mul3A_2, %add3A_126 : i32
    %dma_start3A_128 = arith.constant 0 : i32
    %dma_start3A_129 = tpu.memref_slice %arg2[%add3A_127, %dma_start3A_128] : memref<4096x4096xf32, #tpu.memory_space<hbm>> -> memref<4x4096xf32, #tpu.memory_space<hbm>>
    %dma_start3A_130 = arith.constant 0 : i32
    %dma_start3A_131 = tpu.memref_slice %arg2[%add3A_127, %dma_start3A_130] : memref<4096x4096xf32, #tpu.memory_space<hbm>> -> memref<4x4096xf32, #tpu.memory_space<hbm>>
    tpu.enqueue_dma source(%dma_start3A_131 : memref<4x4096xf32, #tpu.memory_space<hbm>>) target(%arg8 : memref<4x4096xf32, #tpu.memory_space<vmem>>) target_semaphore(%arg16 : memref<!tpu.dma_semaphore, #tpu.memory_space<semaphore_mem>>)
    %dma_wait3A_132 = arith.constant 0 : i32
    %dma_wait3A_133 = tpu.memref_slice %arg2[%add3A_87, %dma_wait3A_132] : memref<4096x4096xf32, #tpu.memory_space<hbm>> -> memref<4x4096xf32, #tpu.memory_space<hbm>>
    %dma_wait3A_134 = arith.constant 0 : i32
    %dma_wait3A_135 = tpu.memref_slice %arg2[%add3A_87, %dma_wait3A_134] : memref<4096x4096xf32, #tpu.memory_space<hbm>> -> memref<4x4096xf32, #tpu.memory_space<hbm>>
    tpu.wait_dma2 semaphore(%arg14 : memref<!tpu.dma_semaphore, #tpu.memory_space<semaphore_mem>>) src(%dma_wait3A_135 : memref<4x4096xf32, #tpu.memory_space<hbm>>) dst(%arg6 : memref<4x4096xf32, #tpu.memory_space<vmem>>)
    %add3A_136 = arith.constant 24 : i32
    %add3A_137 = arith.addi %mul3A_2, %add3A_136 : i32
    %dma_start3A_138 = arith.constant 0 : i32
    %dma_start3A_139 = tpu.memref_slice %arg5[%add3A_137, %dma_start3A_138] : memref<4096x4096xf32, #tpu.memory_space<hbm>> -> memref<4x4096xf32, #tpu.memory_space<hbm>>
    %dma_start3A_140 = arith.constant 0 : i32
    %dma_start3A_141 = tpu.memref_slice %arg5[%add3A_137, %dma_start3A_140] : memref<4096x4096xf32, #tpu.memory_space<hbm>> -> memref<4x4096xf32, #tpu.memory_space<hbm>>
    tpu.enqueue_dma source(%arg6 : memref<4x4096xf32, #tpu.memory_space<vmem>>) target(%dma_start3A_141 : memref<4x4096xf32, #tpu.memory_space<hbm>>) target_semaphore(%arg20 : memref<!tpu.dma_semaphore, #tpu.memory_space<semaphore_mem>>)
    %dma_wait3A_142 = arith.constant 0 : i32
    %dma_wait3A_143 = tpu.memref_slice %arg5[%add3A_77, %dma_wait3A_142] : memref<4096x4096xf32, #tpu.memory_space<hbm>> -> memref<4x4096xf32, #tpu.memory_space<hbm>>
    %dma_wait3A_144 = arith.constant 0 : i32
    %dma_wait3A_145 = tpu.memref_slice %arg5[%add3A_77, %dma_wait3A_144] : memref<4096x4096xf32, #tpu.memory_space<hbm>> -> memref<4x4096xf32, #tpu.memory_space<hbm>>
    tpu.wait_dma2 semaphore(%arg23 : memref<!tpu.dma_semaphore, #tpu.memory_space<semaphore_mem>>) src(%arg9 : memref<4x4096xf32, #tpu.memory_space<vmem>>) dst(%dma_wait3A_145 : memref<4x4096xf32, #tpu.memory_space<hbm>>)
    %add3A_146 = arith.constant 36 : i32
    %add3A_147 = arith.addi %mul3A_2, %add3A_146 : i32
    %dma_start3A_148 = arith.constant 0 : i32
    %dma_start3A_149 = tpu.memref_slice %arg2[%add3A_147, %dma_start3A_148] : memref<4096x4096xf32, #tpu.memory_space<hbm>> -> memref<4x4096xf32, #tpu.memory_space<hbm>>
    %dma_start3A_150 = arith.constant 0 : i32
    %dma_start3A_151 = tpu.memref_slice %arg2[%add3A_147, %dma_start3A_150] : memref<4096x4096xf32, #tpu.memory_space<hbm>> -> memref<4x4096xf32, #tpu.memory_space<hbm>>
    tpu.enqueue_dma source(%dma_start3A_151 : memref<4x4096xf32, #tpu.memory_space<hbm>>) target(%arg9 : memref<4x4096xf32, #tpu.memory_space<vmem>>) target_semaphore(%arg17 : memref<!tpu.dma_semaphore, #tpu.memory_space<semaphore_mem>>)
    %dma_wait3A_152 = arith.constant 0 : i32
    %dma_wait3A_153 = tpu.memref_slice %arg2[%add3A_107, %dma_wait3A_152] : memref<4096x4096xf32, #tpu.memory_space<hbm>> -> memref<4x4096xf32, #tpu.memory_space<hbm>>
    %dma_wait3A_154 = arith.constant 0 : i32
    %dma_wait3A_155 = tpu.memref_slice %arg2[%add3A_107, %dma_wait3A_154] : memref<4096x4096xf32, #tpu.memory_space<hbm>> -> memref<4x4096xf32, #tpu.memory_space<hbm>>
    tpu.wait_dma2 semaphore(%arg15 : memref<!tpu.dma_semaphore, #tpu.memory_space<semaphore_mem>>) src(%dma_wait3A_155 : memref<4x4096xf32, #tpu.memory_space<hbm>>) dst(%arg7 : memref<4x4096xf32, #tpu.memory_space<vmem>>)
    %add3A_156 = arith.constant 28 : i32
    %add3A_157 = arith.addi %mul3A_2, %add3A_156 : i32
    %dma_start3A_158 = arith.constant 0 : i32
    %dma_start3A_159 = tpu.memref_slice %arg5[%add3A_157, %dma_start3A_158] : memref<4096x4096xf32, #tpu.memory_space<hbm>> -> memref<4x4096xf32, #tpu.memory_space<hbm>>
    %dma_start3A_160 = arith.constant 0 : i32
    %dma_start3A_161 = tpu.memref_slice %arg5[%add3A_157, %dma_start3A_160] : memref<4096x4096xf32, #tpu.memory_space<hbm>> -> memref<4x4096xf32, #tpu.memory_space<hbm>>
    tpu.enqueue_dma source(%arg7 : memref<4x4096xf32, #tpu.memory_space<vmem>>) target(%dma_start3A_161 : memref<4x4096xf32, #tpu.memory_space<hbm>>) target_semaphore(%arg21 : memref<!tpu.dma_semaphore, #tpu.memory_space<semaphore_mem>>)
    %dma_wait3A_162 = arith.constant 0 : i32
    %dma_wait3A_163 = tpu.memref_slice %arg5[%add3A_97, %dma_wait3A_162] : memref<4096x4096xf32, #tpu.memory_space<hbm>> -> memref<4x4096xf32, #tpu.memory_space<hbm>>
    %dma_wait3A_164 = arith.constant 0 : i32
    %dma_wait3A_165 = tpu.memref_slice %arg5[%add3A_97, %dma_wait3A_164] : memref<4096x4096xf32, #tpu.memory_space<hbm>> -> memref<4x4096xf32, #tpu.memory_space<hbm>>
    tpu.wait_dma2 semaphore(%arg24 : memref<!tpu.dma_semaphore, #tpu.memory_space<semaphore_mem>>) src(%arg10 : memref<4x4096xf32, #tpu.memory_space<vmem>>) dst(%dma_wait3A_165 : memref<4x4096xf32, #tpu.memory_space<hbm>>)
    %add3A_166 = arith.constant 40 : i32
    %add3A_167 = arith.addi %mul3A_2, %add3A_166 : i32
    %dma_start3A_168 = arith.constant 0 : i32
    %dma_start3A_169 = tpu.memref_slice %arg2[%add3A_167, %dma_start3A_168] : memref<4096x4096xf32, #tpu.memory_space<hbm>> -> memref<4x4096xf32, #tpu.memory_space<hbm>>
    %dma_start3A_170 = arith.constant 0 : i32
    %dma_start3A_171 = tpu.memref_slice %arg2[%add3A_167, %dma_start3A_170] : memref<4096x4096xf32, #tpu.memory_space<hbm>> -> memref<4x4096xf32, #tpu.memory_space<hbm>>
    tpu.enqueue_dma source(%dma_start3A_171 : memref<4x4096xf32, #tpu.memory_space<hbm>>) target(%arg10 : memref<4x4096xf32, #tpu.memory_space<vmem>>) target_semaphore(%arg18 : memref<!tpu.dma_semaphore, #tpu.memory_space<semaphore_mem>>)
    %dma_wait3A_172 = arith.constant 0 : i32
    %dma_wait3A_173 = tpu.memref_slice %arg2[%add3A_127, %dma_wait3A_172] : memref<4096x4096xf32, #tpu.memory_space<hbm>> -> memref<4x4096xf32, #tpu.memory_space<hbm>>
    %dma_wait3A_174 = arith.constant 0 : i32
    %dma_wait3A_175 = tpu.memref_slice %arg2[%add3A_127, %dma_wait3A_174] : memref<4096x4096xf32, #tpu.memory_space<hbm>> -> memref<4x4096xf32, #tpu.memory_space<hbm>>
    tpu.wait_dma2 semaphore(%arg16 : memref<!tpu.dma_semaphore, #tpu.memory_space<semaphore_mem>>) src(%dma_wait3A_175 : memref<4x4096xf32, #tpu.memory_space<hbm>>) dst(%arg8 : memref<4x4096xf32, #tpu.memory_space<vmem>>)
    %add3A_176 = arith.constant 32 : i32
    %add3A_177 = arith.addi %mul3A_2, %add3A_176 : i32
    %dma_start3A_178 = arith.constant 0 : i32
    %dma_start3A_179 = tpu.memref_slice %arg5[%add3A_177, %dma_start3A_178] : memref<4096x4096xf32, #tpu.memory_space<hbm>> -> memref<4x4096xf32, #tpu.memory_space<hbm>>
    %dma_start3A_180 = arith.constant 0 : i32
    %dma_start3A_181 = tpu.memref_slice %arg5[%add3A_177, %dma_start3A_180] : memref<4096x4096xf32, #tpu.memory_space<hbm>> -> memref<4x4096xf32, #tpu.memory_space<hbm>>
    tpu.enqueue_dma source(%arg8 : memref<4x4096xf32, #tpu.memory_space<vmem>>) target(%dma_start3A_181 : memref<4x4096xf32, #tpu.memory_space<hbm>>) target_semaphore(%arg22 : memref<!tpu.dma_semaphore, #tpu.memory_space<semaphore_mem>>)
    %dma_wait3A_182 = arith.constant 0 : i32
    %dma_wait3A_183 = tpu.memref_slice %arg5[%add3A_117, %dma_wait3A_182] : memref<4096x4096xf32, #tpu.memory_space<hbm>> -> memref<4x4096xf32, #tpu.memory_space<hbm>>
    %dma_wait3A_184 = arith.constant 0 : i32
    %dma_wait3A_185 = tpu.memref_slice %arg5[%add3A_117, %dma_wait3A_184] : memref<4096x4096xf32, #tpu.memory_space<hbm>> -> memref<4x4096xf32, #tpu.memory_space<hbm>>
    tpu.wait_dma2 semaphore(%arg25 : memref<!tpu.dma_semaphore, #tpu.memory_space<semaphore_mem>>) src(%arg11 : memref<4x4096xf32, #tpu.memory_space<vmem>>) dst(%dma_wait3A_185 : memref<4x4096xf32, #tpu.memory_space<hbm>>)
    %add3A_186 = arith.constant 44 : i32
    %add3A_187 = arith.addi %mul3A_2, %add3A_186 : i32
    %dma_start3A_188 = arith.constant 0 : i32
    %dma_start3A_189 = tpu.memref_slice %arg2[%add3A_187, %dma_start3A_188] : memref<4096x4096xf32, #tpu.memory_space<hbm>> -> memref<4x4096xf32, #tpu.memory_space<hbm>>
    %dma_start3A_190 = arith.constant 0 : i32
    %dma_start3A_191 = tpu.memref_slice %arg2[%add3A_187, %dma_start3A_190] : memref<4096x4096xf32, #tpu.memory_space<hbm>> -> memref<4x4096xf32, #tpu.memory_space<hbm>>
    tpu.enqueue_dma source(%dma_start3A_191 : memref<4x4096xf32, #tpu.memory_space<hbm>>) target(%arg11 : memref<4x4096xf32, #tpu.memory_space<vmem>>) target_semaphore(%arg19 : memref<!tpu.dma_semaphore, #tpu.memory_space<semaphore_mem>>)
    %dma_wait3A_192 = arith.constant 0 : i32
    %dma_wait3A_193 = tpu.memref_slice %arg2[%add3A_147, %dma_wait3A_192] : memref<4096x4096xf32, #tpu.memory_space<hbm>> -> memref<4x4096xf32, #tpu.memory_space<hbm>>
    %dma_wait3A_194 = arith.constant 0 : i32
    %dma_wait3A_195 = tpu.memref_slice %arg2[%add3A_147, %dma_wait3A_194] : memref<4096x4096xf32, #tpu.memory_space<hbm>> -> memref<4x4096xf32, #tpu.memory_space<hbm>>
    tpu.wait_dma2 semaphore(%arg17 : memref<!tpu.dma_semaphore, #tpu.memory_space<semaphore_mem>>) src(%dma_wait3A_195 : memref<4x4096xf32, #tpu.memory_space<hbm>>) dst(%arg9 : memref<4x4096xf32, #tpu.memory_space<vmem>>)
    %add3A_196 = arith.constant 36 : i32
    %add3A_197 = arith.addi %mul3A_2, %add3A_196 : i32
    %dma_start3A_198 = arith.constant 0 : i32
    %dma_start3A_199 = tpu.memref_slice %arg5[%add3A_197, %dma_start3A_198] : memref<4096x4096xf32, #tpu.memory_space<hbm>> -> memref<4x4096xf32, #tpu.memory_space<hbm>>
    %dma_start3A_200 = arith.constant 0 : i32
    %dma_start3A_201 = tpu.memref_slice %arg5[%add3A_197, %dma_start3A_200] : memref<4096x4096xf32, #tpu.memory_space<hbm>> -> memref<4x4096xf32, #tpu.memory_space<hbm>>
    tpu.enqueue_dma source(%arg9 : memref<4x4096xf32, #tpu.memory_space<vmem>>) target(%dma_start3A_201 : memref<4x4096xf32, #tpu.memory_space<hbm>>) target_semaphore(%arg23 : memref<!tpu.dma_semaphore, #tpu.memory_space<semaphore_mem>>)
    %dma_wait3A_202 = arith.constant 0 : i32
    %dma_wait3A_203 = tpu.memref_slice %arg5[%add3A_137, %dma_wait3A_202] : memref<4096x4096xf32, #tpu.memory_space<hbm>> -> memref<4x4096xf32, #tpu.memory_space<hbm>>
    %dma_wait3A_204 = arith.constant 0 : i32
    %dma_wait3A_205 = tpu.memref_slice %arg5[%add3A_137, %dma_wait3A_204] : memref<4096x4096xf32, #tpu.memory_space<hbm>> -> memref<4x4096xf32, #tpu.memory_space<hbm>>
    tpu.wait_dma2 semaphore(%arg20 : memref<!tpu.dma_semaphore, #tpu.memory_space<semaphore_mem>>) src(%arg6 : memref<4x4096xf32, #tpu.memory_space<vmem>>) dst(%dma_wait3A_205 : memref<4x4096xf32, #tpu.memory_space<hbm>>)
    %add3A_206 = arith.constant 48 : i32
    %add3A_207 = arith.addi %mul3A_2, %add3A_206 : i32
    %dma_start3A_208 = arith.constant 0 : i32
    %dma_start3A_209 = tpu.memref_slice %arg2[%add3A_207, %dma_start3A_208] : memref<4096x4096xf32, #tpu.memory_space<hbm>> -> memref<4x4096xf32, #tpu.memory_space<hbm>>
    %dma_start3A_210 = arith.constant 0 : i32
    %dma_start3A_211 = tpu.memref_slice %arg2[%add3A_207, %dma_start3A_210] : memref<4096x4096xf32, #tpu.memory_space<hbm>> -> memref<4x4096xf32, #tpu.memory_space<hbm>>
    tpu.enqueue_dma source(%dma_start3A_211 : memref<4x4096xf32, #tpu.memory_space<hbm>>) target(%arg6 : memref<4x4096xf32, #tpu.memory_space<vmem>>) target_semaphore(%arg14 : memref<!tpu.dma_semaphore, #tpu.memory_space<semaphore_mem>>)
    %dma_wait3A_212 = arith.constant 0 : i32
    %dma_wait3A_213 = tpu.memref_slice %arg2[%add3A_167, %dma_wait3A_212] : memref<4096x4096xf32, #tpu.memory_space<hbm>> -> memref<4x4096xf32, #tpu.memory_space<hbm>>
    %dma_wait3A_214 = arith.constant 0 : i32
    %dma_wait3A_215 = tpu.memref_slice %arg2[%add3A_167, %dma_wait3A_214] : memref<4096x4096xf32, #tpu.memory_space<hbm>> -> memref<4x4096xf32, #tpu.memory_space<hbm>>
    tpu.wait_dma2 semaphore(%arg18 : memref<!tpu.dma_semaphore, #tpu.memory_space<semaphore_mem>>) src(%dma_wait3A_215 : memref<4x4096xf32, #tpu.memory_space<hbm>>) dst(%arg10 : memref<4x4096xf32, #tpu.memory_space<vmem>>)
    %add3A_216 = arith.constant 40 : i32
    %add3A_217 = arith.addi %mul3A_2, %add3A_216 : i32
    %dma_start3A_218 = arith.constant 0 : i32
    %dma_start3A_219 = tpu.memref_slice %arg5[%add3A_217, %dma_start3A_218] : memref<4096x4096xf32, #tpu.memory_space<hbm>> -> memref<4x4096xf32, #tpu.memory_space<hbm>>
    %dma_start3A_220 = arith.constant 0 : i32
    %dma_start3A_221 = tpu.memref_slice %arg5[%add3A_217, %dma_start3A_220] : memref<4096x4096xf32, #tpu.memory_space<hbm>> -> memref<4x4096xf32, #tpu.memory_space<hbm>>
    tpu.enqueue_dma source(%arg10 : memref<4x4096xf32, #tpu.memory_space<vmem>>) target(%dma_start3A_221 : memref<4x4096xf32, #tpu.memory_space<hbm>>) target_semaphore(%arg24 : memref<!tpu.dma_semaphore, #tpu.memory_space<semaphore_mem>>)
    %dma_wait3A_222 = arith.constant 0 : i32
    %dma_wait3A_223 = tpu.memref_slice %arg5[%add3A_157, %dma_wait3A_222] : memref<4096x4096xf32, #tpu.memory_space<hbm>> -> memref<4x4096xf32, #tpu.memory_space<hbm>>
    %dma_wait3A_224 = arith.constant 0 : i32
    %dma_wait3A_225 = tpu.memref_slice %arg5[%add3A_157, %dma_wait3A_224] : memref<4096x4096xf32, #tpu.memory_space<hbm>> -> memref<4x4096xf32, #tpu.memory_space<hbm>>
    tpu.wait_dma2 semaphore(%arg21 : memref<!tpu.dma_semaphore, #tpu.memory_space<semaphore_mem>>) src(%arg7 : memref<4x4096xf32, #tpu.memory_space<vmem>>) dst(%dma_wait3A_225 : memref<4x4096xf32, #tpu.memory_space<hbm>>)
    %add3A_226 = arith.constant 52 : i32
    %add3A_227 = arith.addi %mul3A_2, %add3A_226 : i32
    %dma_start3A_228 = arith.constant 0 : i32
    %dma_start3A_229 = tpu.memref_slice %arg2[%add3A_227, %dma_start3A_228] : memref<4096x4096xf32, #tpu.memory_space<hbm>> -> memref<4x4096xf32, #tpu.memory_space<hbm>>
    %dma_start3A_230 = arith.constant 0 : i32
    %dma_start3A_231 = tpu.memref_slice %arg2[%add3A_227, %dma_start3A_230] : memref<4096x4096xf32, #tpu.memory_space<hbm>> -> memref<4x4096xf32, #tpu.memory_space<hbm>>
    tpu.enqueue_dma source(%dma_start3A_231 : memref<4x4096xf32, #tpu.memory_space<hbm>>) target(%arg7 : memref<4x4096xf32, #tpu.memory_space<vmem>>) target_semaphore(%arg15 : memref<!tpu.dma_semaphore, #tpu.memory_space<semaphore_mem>>)
    %dma_wait3A_232 = arith.constant 0 : i32
    %dma_wait3A_233 = tpu.memref_slice %arg2[%add3A_187, %dma_wait3A_232] : memref<4096x4096xf32, #tpu.memory_space<hbm>> -> memref<4x4096xf32, #tpu.memory_space<hbm>>
    %dma_wait3A_234 = arith.constant 0 : i32
    %dma_wait3A_235 = tpu.memref_slice %arg2[%add3A_187, %dma_wait3A_234] : memref<4096x4096xf32, #tpu.memory_space<hbm>> -> memref<4x4096xf32, #tpu.memory_space<hbm>>
    tpu.wait_dma2 semaphore(%arg19 : memref<!tpu.dma_semaphore, #tpu.memory_space<semaphore_mem>>) src(%dma_wait3A_235 : memref<4x4096xf32, #tpu.memory_space<hbm>>) dst(%arg11 : memref<4x4096xf32, #tpu.memory_space<vmem>>)
    %add3A_236 = arith.constant 44 : i32
    %add3A_237 = arith.addi %mul3A_2, %add3A_236 : i32
    %dma_start3A_238 = arith.constant 0 : i32
    %dma_start3A_239 = tpu.memref_slice %arg5[%add3A_237, %dma_start3A_238] : memref<4096x4096xf32, #tpu.memory_space<hbm>> -> memref<4x4096xf32, #tpu.memory_space<hbm>>
    %dma_start3A_240 = arith.constant 0 : i32
    %dma_start3A_241 = tpu.memref_slice %arg5[%add3A_237, %dma_start3A_240] : memref<4096x4096xf32, #tpu.memory_space<hbm>> -> memref<4x4096xf32, #tpu.memory_space<hbm>>
    tpu.enqueue_dma source(%arg11 : memref<4x4096xf32, #tpu.memory_space<vmem>>) target(%dma_start3A_241 : memref<4x4096xf32, #tpu.memory_space<hbm>>) target_semaphore(%arg25 : memref<!tpu.dma_semaphore, #tpu.memory_space<semaphore_mem>>)
    %dma_wait3A_242 = arith.constant 0 : i32
    %dma_wait3A_243 = tpu.memref_slice %arg5[%add3A_177, %dma_wait3A_242] : memref<4096x4096xf32, #tpu.memory_space<hbm>> -> memref<4x4096xf32, #tpu.memory_space<hbm>>
    %dma_wait3A_244 = arith.constant 0 : i32
    %dma_wait3A_245 = tpu.memref_slice %arg5[%add3A_177, %dma_wait3A_244] : memref<4096x4096xf32, #tpu.memory_space<hbm>> -> memref<4x4096xf32, #tpu.memory_space<hbm>>
    tpu.wait_dma2 semaphore(%arg22 : memref<!tpu.dma_semaphore, #tpu.memory_space<semaphore_mem>>) src(%arg8 : memref<4x4096xf32, #tpu.memory_space<vmem>>) dst(%dma_wait3A_245 : memref<4x4096xf32, #tpu.memory_space<hbm>>)
    %add3A_246 = arith.constant 56 : i32
    %add3A_247 = arith.addi %mul3A_2, %add3A_246 : i32
    %dma_start3A_248 = arith.constant 0 : i32
    %dma_start3A_249 = tpu.memref_slice %arg2[%add3A_247, %dma_start3A_248] : memref<4096x4096xf32, #tpu.memory_space<hbm>> -> memref<4x4096xf32, #tpu.memory_space<hbm>>
    %dma_start3A_250 = arith.constant 0 : i32
    %dma_start3A_251 = tpu.memref_slice %arg2[%add3A_247, %dma_start3A_250] : memref<4096x4096xf32, #tpu.memory_space<hbm>> -> memref<4x4096xf32, #tpu.memory_space<hbm>>
    tpu.enqueue_dma source(%dma_start3A_251 : memref<4x4096xf32, #tpu.memory_space<hbm>>) target(%arg8 : memref<4x4096xf32, #tpu.memory_space<vmem>>) target_semaphore(%arg16 : memref<!tpu.dma_semaphore, #tpu.memory_space<semaphore_mem>>)
    %dma_wait3A_252 = arith.constant 0 : i32
    %dma_wait3A_253 = tpu.memref_slice %arg2[%add3A_207, %dma_wait3A_252] : memref<4096x4096xf32, #tpu.memory_space<hbm>> -> memref<4x4096xf32, #tpu.memory_space<hbm>>
    %dma_wait3A_254 = arith.constant 0 : i32
    %dma_wait3A_255 = tpu.memref_slice %arg2[%add3A_207, %dma_wait3A_254] : memref<4096x4096xf32, #tpu.memory_space<hbm>> -> memref<4x4096xf32, #tpu.memory_space<hbm>>
    tpu.wait_dma2 semaphore(%arg14 : memref<!tpu.dma_semaphore, #tpu.memory_space<semaphore_mem>>) src(%dma_wait3A_255 : memref<4x4096xf32, #tpu.memory_space<hbm>>) dst(%arg6 : memref<4x4096xf32, #tpu.memory_space<vmem>>)
    %add3A_256 = arith.constant 48 : i32
    %add3A_257 = arith.addi %mul3A_2, %add3A_256 : i32
    %dma_start3A_258 = arith.constant 0 : i32
    %dma_start3A_259 = tpu.memref_slice %arg5[%add3A_257, %dma_start3A_258] : memref<4096x4096xf32, #tpu.memory_space<hbm>> -> memref<4x4096xf32, #tpu.memory_space<hbm>>
    %dma_start3A_260 = arith.constant 0 : i32
    %dma_start3A_261 = tpu.memref_slice %arg5[%add3A_257, %dma_start3A_260] : memref<4096x4096xf32, #tpu.memory_space<hbm>> -> memref<4x4096xf32, #tpu.memory_space<hbm>>
    tpu.enqueue_dma source(%arg6 : memref<4x4096xf32, #tpu.memory_space<vmem>>) target(%dma_start3A_261 : memref<4x4096xf32, #tpu.memory_space<hbm>>) target_semaphore(%arg20 : memref<!tpu.dma_semaphore, #tpu.memory_space<semaphore_mem>>)
    %dma_wait3A_262 = arith.constant 0 : i32
    %dma_wait3A_263 = tpu.memref_slice %arg5[%add3A_197, %dma_wait3A_262] : memref<4096x4096xf32, #tpu.memory_space<hbm>> -> memref<4x4096xf32, #tpu.memory_space<hbm>>
    %dma_wait3A_264 = arith.constant 0 : i32
    %dma_wait3A_265 = tpu.memref_slice %arg5[%add3A_197, %dma_wait3A_264] : memref<4096x4096xf32, #tpu.memory_space<hbm>> -> memref<4x4096xf32, #tpu.memory_space<hbm>>
    tpu.wait_dma2 semaphore(%arg23 : memref<!tpu.dma_semaphore, #tpu.memory_space<semaphore_mem>>) src(%arg9 : memref<4x4096xf32, #tpu.memory_space<vmem>>) dst(%dma_wait3A_265 : memref<4x4096xf32, #tpu.memory_space<hbm>>)
    %add3A_266 = arith.constant 60 : i32
    %add3A_267 = arith.addi %mul3A_2, %add3A_266 : i32
    %dma_start3A_268 = arith.constant 0 : i32
    %dma_start3A_269 = tpu.memref_slice %arg2[%add3A_267, %dma_start3A_268] : memref<4096x4096xf32, #tpu.memory_space<hbm>> -> memref<4x4096xf32, #tpu.memory_space<hbm>>
    %dma_start3A_270 = arith.constant 0 : i32
    %dma_start3A_271 = tpu.memref_slice %arg2[%add3A_267, %dma_start3A_270] : memref<4096x4096xf32, #tpu.memory_space<hbm>> -> memref<4x4096xf32, #tpu.memory_space<hbm>>
    tpu.enqueue_dma source(%dma_start3A_271 : memref<4x4096xf32, #tpu.memory_space<hbm>>) target(%arg9 : memref<4x4096xf32, #tpu.memory_space<vmem>>) target_semaphore(%arg17 : memref<!tpu.dma_semaphore, #tpu.memory_space<semaphore_mem>>)
    %dma_wait3A_272 = arith.constant 0 : i32
    %dma_wait3A_273 = tpu.memref_slice %arg2[%add3A_227, %dma_wait3A_272] : memref<4096x4096xf32, #tpu.memory_space<hbm>> -> memref<4x4096xf32, #tpu.memory_space<hbm>>
    %dma_wait3A_274 = arith.constant 0 : i32
    %dma_wait3A_275 = tpu.memref_slice %arg2[%add3A_227, %dma_wait3A_274] : memref<4096x4096xf32, #tpu.memory_space<hbm>> -> memref<4x4096xf32, #tpu.memory_space<hbm>>
    tpu.wait_dma2 semaphore(%arg15 : memref<!tpu.dma_semaphore, #tpu.memory_space<semaphore_mem>>) src(%dma_wait3A_275 : memref<4x4096xf32, #tpu.memory_space<hbm>>) dst(%arg7 : memref<4x4096xf32, #tpu.memory_space<vmem>>)
    %add3A_276 = arith.constant 52 : i32
    %add3A_277 = arith.addi %mul3A_2, %add3A_276 : i32
    %dma_start3A_278 = arith.constant 0 : i32
    %dma_start3A_279 = tpu.memref_slice %arg5[%add3A_277, %dma_start3A_278] : memref<4096x4096xf32, #tpu.memory_space<hbm>> -> memref<4x4096xf32, #tpu.memory_space<hbm>>
    %dma_start3A_280 = arith.constant 0 : i32
    %dma_start3A_281 = tpu.memref_slice %arg5[%add3A_277, %dma_start3A_280] : memref<4096x4096xf32, #tpu.memory_space<hbm>> -> memref<4x4096xf32, #tpu.memory_space<hbm>>
    tpu.enqueue_dma source(%arg7 : memref<4x4096xf32, #tpu.memory_space<vmem>>) target(%dma_start3A_281 : memref<4x4096xf32, #tpu.memory_space<hbm>>) target_semaphore(%arg21 : memref<!tpu.dma_semaphore, #tpu.memory_space<semaphore_mem>>)
    %dma_wait3A_282 = arith.constant 0 : i32
    %dma_wait3A_283 = tpu.memref_slice %arg5[%add3A_217, %dma_wait3A_282] : memref<4096x4096xf32, #tpu.memory_space<hbm>> -> memref<4x4096xf32, #tpu.memory_space<hbm>>
    %dma_wait3A_284 = arith.constant 0 : i32
    %dma_wait3A_285 = tpu.memref_slice %arg5[%add3A_217, %dma_wait3A_284] : memref<4096x4096xf32, #tpu.memory_space<hbm>> -> memref<4x4096xf32, #tpu.memory_space<hbm>>
    tpu.wait_dma2 semaphore(%arg24 : memref<!tpu.dma_semaphore, #tpu.memory_space<semaphore_mem>>) src(%arg10 : memref<4x4096xf32, #tpu.memory_space<vmem>>) dst(%dma_wait3A_285 : memref<4x4096xf32, #tpu.memory_space<hbm>>)
    %add3A_286 = arith.constant 64 : i32
    %add3A_287 = arith.addi %mul3A_2, %add3A_286 : i32
    %dma_start3A_288 = arith.constant 0 : i32
    %dma_start3A_289 = tpu.memref_slice %arg2[%add3A_287, %dma_start3A_288] : memref<4096x4096xf32, #tpu.memory_space<hbm>> -> memref<4x4096xf32, #tpu.memory_space<hbm>>
    %dma_start3A_290 = arith.constant 0 : i32
    %dma_start3A_291 = tpu.memref_slice %arg2[%add3A_287, %dma_start3A_290] : memref<4096x4096xf32, #tpu.memory_space<hbm>> -> memref<4x4096xf32, #tpu.memory_space<hbm>>
    tpu.enqueue_dma source(%dma_start3A_291 : memref<4x4096xf32, #tpu.memory_space<hbm>>) target(%arg10 : memref<4x4096xf32, #tpu.memory_space<vmem>>) target_semaphore(%arg18 : memref<!tpu.dma_semaphore, #tpu.memory_space<semaphore_mem>>)
    %dma_wait3A_292 = arith.constant 0 : i32
    %dma_wait3A_293 = tpu.memref_slice %arg2[%add3A_247, %dma_wait3A_292] : memref<4096x4096xf32, #tpu.memory_space<hbm>> -> memref<4x4096xf32, #tpu.memory_space<hbm>>
    %dma_wait3A_294 = arith.constant 0 : i32
    %dma_wait3A_295 = tpu.memref_slice %arg2[%add3A_247, %dma_wait3A_294] : memref<4096x4096xf32, #tpu.memory_space<hbm>> -> memref<4x4096xf32, #tpu.memory_space<hbm>>
    tpu.wait_dma2 semaphore(%arg16 : memref<!tpu.dma_semaphore, #tpu.memory_space<semaphore_mem>>) src(%dma_wait3A_295 : memref<4x4096xf32, #tpu.memory_space<hbm>>) dst(%arg8 : memref<4x4096xf32, #tpu.memory_space<vmem>>)
    %add3A_296 = arith.constant 56 : i32
    %add3A_297 = arith.addi %mul3A_2, %add3A_296 : i32
    %dma_start3A_298 = arith.constant 0 : i32
    %dma_start3A_299 = tpu.memref_slice %arg5[%add3A_297, %dma_start3A_298] : memref<4096x4096xf32, #tpu.memory_space<hbm>> -> memref<4x4096xf32, #tpu.memory_space<hbm>>
    %dma_start3A_300 = arith.constant 0 : i32
    %dma_start3A_301 = tpu.memref_slice %arg5[%add3A_297, %dma_start3A_300] : memref<4096x4096xf32, #tpu.memory_space<hbm>> -> memref<4x4096xf32, #tpu.memory_space<hbm>>
    tpu.enqueue_dma source(%arg8 : memref<4x4096xf32, #tpu.memory_space<vmem>>) target(%dma_start3A_301 : memref<4x4096xf32, #tpu.memory_space<hbm>>) target_semaphore(%arg22 : memref<!tpu.dma_semaphore, #tpu.memory_space<semaphore_mem>>)
    %dma_wait3A_302 = arith.constant 0 : i32
    %dma_wait3A_303 = tpu.memref_slice %arg5[%add3A_237, %dma_wait3A_302] : memref<4096x4096xf32, #tpu.memory_space<hbm>> -> memref<4x4096xf32, #tpu.memory_space<hbm>>
    %dma_wait3A_304 = arith.constant 0 : i32
    %dma_wait3A_305 = tpu.memref_slice %arg5[%add3A_237, %dma_wait3A_304] : memref<4096x4096xf32, #tpu.memory_space<hbm>> -> memref<4x4096xf32, #tpu.memory_space<hbm>>
    tpu.wait_dma2 semaphore(%arg25 : memref<!tpu.dma_semaphore, #tpu.memory_space<semaphore_mem>>) src(%arg11 : memref<4x4096xf32, #tpu.memory_space<vmem>>) dst(%dma_wait3A_305 : memref<4x4096xf32, #tpu.memory_space<hbm>>)
    %add3A_306 = arith.constant 68 : i32
    %add3A_307 = arith.addi %mul3A_2, %add3A_306 : i32
    %dma_start3A_308 = arith.constant 0 : i32
    %dma_start3A_309 = tpu.memref_slice %arg2[%add3A_307, %dma_start3A_308] : memref<4096x4096xf32, #tpu.memory_space<hbm>> -> memref<4x4096xf32, #tpu.memory_space<hbm>>
    %dma_start3A_310 = arith.constant 0 : i32
    %dma_start3A_311 = tpu.memref_slice %arg2[%add3A_307, %dma_start3A_310] : memref<4096x4096xf32, #tpu.memory_space<hbm>> -> memref<4x4096xf32, #tpu.memory_space<hbm>>
    tpu.enqueue_dma source(%dma_start3A_311 : memref<4x4096xf32, #tpu.memory_space<hbm>>) target(%arg11 : memref<4x4096xf32, #tpu.memory_space<vmem>>) target_semaphore(%arg19 : memref<!tpu.dma_semaphore, #tpu.memory_space<semaphore_mem>>)
    %dma_wait3A_312 = arith.constant 0 : i32
    %dma_wait3A_313 = tpu.memref_slice %arg2[%add3A_267, %dma_wait3A_312] : memref<4096x4096xf32, #tpu.memory_space<hbm>> -> memref<4x4096xf32, #tpu.memory_space<hbm>>
    %dma_wait3A_314 = arith.constant 0 : i32
    %dma_wait3A_315 = tpu.memref_slice %arg2[%add3A_267, %dma_wait3A_314] : memref<4096x4096xf32, #tpu.memory_space<hbm>> -> memref<4x4096xf32, #tpu.memory_space<hbm>>
    tpu.wait_dma2 semaphore(%arg17 : memref<!tpu.dma_semaphore, #tpu.memory_space<semaphore_mem>>) src(%dma_wait3A_315 : memref<4x4096xf32, #tpu.memory_space<hbm>>) dst(%arg9 : memref<4x4096xf32, #tpu.memory_space<vmem>>)
    %add3A_316 = arith.constant 60 : i32
    %add3A_317 = arith.addi %mul3A_2, %add3A_316 : i32
    %dma_start3A_318 = arith.constant 0 : i32
    %dma_start3A_319 = tpu.memref_slice %arg5[%add3A_317, %dma_start3A_318] : memref<4096x4096xf32, #tpu.memory_space<hbm>> -> memref<4x4096xf32, #tpu.memory_space<hbm>>
    %dma_start3A_320 = arith.constant 0 : i32
    %dma_start3A_321 = tpu.memref_slice %arg5[%add3A_317, %dma_start3A_320] : memref<4096x4096xf32, #tpu.memory_space<hbm>> -> memref<4x4096xf32, #tpu.memory_space<hbm>>
    tpu.enqueue_dma source(%arg9 : memref<4x4096xf32, #tpu.memory_space<vmem>>) target(%dma_start3A_321 : memref<4x4096xf32, #tpu.memory_space<hbm>>) target_semaphore(%arg23 : memref<!tpu.dma_semaphore, #tpu.memory_space<semaphore_mem>>)
    %dma_wait3A_322 = arith.constant 0 : i32
    %dma_wait3A_323 = tpu.memref_slice %arg5[%add3A_257, %dma_wait3A_322] : memref<4096x4096xf32, #tpu.memory_space<hbm>> -> memref<4x4096xf32, #tpu.memory_space<hbm>>
    %dma_wait3A_324 = arith.constant 0 : i32
    %dma_wait3A_325 = tpu.memref_slice %arg5[%add3A_257, %dma_wait3A_324] : memref<4096x4096xf32, #tpu.memory_space<hbm>> -> memref<4x4096xf32, #tpu.memory_space<hbm>>
    tpu.wait_dma2 semaphore(%arg20 : memref<!tpu.dma_semaphore, #tpu.memory_space<semaphore_mem>>) src(%arg6 : memref<4x4096xf32, #tpu.memory_space<vmem>>) dst(%dma_wait3A_325 : memref<4x4096xf32, #tpu.memory_space<hbm>>)
    %add3A_326 = arith.constant 72 : i32
    %add3A_327 = arith.addi %mul3A_2, %add3A_326 : i32
    %dma_start3A_328 = arith.constant 0 : i32
    %dma_start3A_329 = tpu.memref_slice %arg2[%add3A_327, %dma_start3A_328] : memref<4096x4096xf32, #tpu.memory_space<hbm>> -> memref<4x4096xf32, #tpu.memory_space<hbm>>
    %dma_start3A_330 = arith.constant 0 : i32
    %dma_start3A_331 = tpu.memref_slice %arg2[%add3A_327, %dma_start3A_330] : memref<4096x4096xf32, #tpu.memory_space<hbm>> -> memref<4x4096xf32, #tpu.memory_space<hbm>>
    tpu.enqueue_dma source(%dma_start3A_331 : memref<4x4096xf32, #tpu.memory_space<hbm>>) target(%arg6 : memref<4x4096xf32, #tpu.memory_space<vmem>>) target_semaphore(%arg14 : memref<!tpu.dma_semaphore, #tpu.memory_space<semaphore_mem>>)
    %dma_wait3A_332 = arith.constant 0 : i32
    %dma_wait3A_333 = tpu.memref_slice %arg2[%add3A_287, %dma_wait3A_332] : memref<4096x4096xf32, #tpu.memory_space<hbm>> -> memref<4x4096xf32, #tpu.memory_space<hbm>>
    %dma_wait3A_334 = arith.constant 0 : i32
    %dma_wait3A_335 = tpu.memref_slice %arg2[%add3A_287, %dma_wait3A_334] : memref<4096x4096xf32, #tpu.memory_space<hbm>> -> memref<4x4096xf32, #tpu.memory_space<hbm>>
    tpu.wait_dma2 semaphore(%arg18 : memref<!tpu.dma_semaphore, #tpu.memory_space<semaphore_mem>>) src(%dma_wait3A_335 : memref<4x4096xf32, #tpu.memory_space<hbm>>) dst(%arg10 : memref<4x4096xf32, #tpu.memory_space<vmem>>)
    %add3A_336 = arith.constant 64 : i32
    %add3A_337 = arith.addi %mul3A_2, %add3A_336 : i32
    %dma_start3A_338 = arith.constant 0 : i32
    %dma_start3A_339 = tpu.memref_slice %arg5[%add3A_337, %dma_start3A_338] : memref<4096x4096xf32, #tpu.memory_space<hbm>> -> memref<4x4096xf32, #tpu.memory_space<hbm>>
    %dma_start3A_340 = arith.constant 0 : i32
    %dma_start3A_341 = tpu.memref_slice %arg5[%add3A_337, %dma_start3A_340] : memref<4096x4096xf32, #tpu.memory_space<hbm>> -> memref<4x4096xf32, #tpu.memory_space<hbm>>
    tpu.enqueue_dma source(%arg10 : memref<4x4096xf32, #tpu.memory_space<vmem>>) target(%dma_start3A_341 : memref<4x4096xf32, #tpu.memory_space<hbm>>) target_semaphore(%arg24 : memref<!tpu.dma_semaphore, #tpu.memory_space<semaphore_mem>>)
    %dma_wait3A_342 = arith.constant 0 : i32
    %dma_wait3A_343 = tpu.memref_slice %arg5[%add3A_277, %dma_wait3A_342] : memref<4096x4096xf32, #tpu.memory_space<hbm>> -> memref<4x4096xf32, #tpu.memory_space<hbm>>
    %dma_wait3A_344 = arith.constant 0 : i32
    %dma_wait3A_345 = tpu.memref_slice %arg5[%add3A_277, %dma_wait3A_344] : memref<4096x4096xf32, #tpu.memory_space<hbm>> -> memref<4x4096xf32, #tpu.memory_space<hbm>>
    tpu.wait_dma2 semaphore(%arg21 : memref<!tpu.dma_semaphore, #tpu.memory_space<semaphore_mem>>) src(%arg7 : memref<4x4096xf32, #tpu.memory_space<vmem>>) dst(%dma_wait3A_345 : memref<4x4096xf32, #tpu.memory_space<hbm>>)
    %add3A_346 = arith.constant 76 : i32
    %add3A_347 = arith.addi %mul3A_2, %add3A_346 : i32
    %dma_start3A_348 = arith.constant 0 : i32
    %dma_start3A_349 = tpu.memref_slice %arg2[%add3A_347, %dma_start3A_348] : memref<4096x4096xf32, #tpu.memory_space<hbm>> -> memref<4x4096xf32, #tpu.memory_space<hbm>>
    %dma_start3A_350 = arith.constant 0 : i32
    %dma_start3A_351 = tpu.memref_slice %arg2[%add3A_347, %dma_start3A_350] : memref<4096x4096xf32, #tpu.memory_space<hbm>> -> memref<4x4096xf32, #tpu.memory_space<hbm>>
    tpu.enqueue_dma source(%dma_start3A_351 : memref<4x4096xf32, #tpu.memory_space<hbm>>) target(%arg7 : memref<4x4096xf32, #tpu.memory_space<vmem>>) target_semaphore(%arg15 : memref<!tpu.dma_semaphore, #tpu.memory_space<semaphore_mem>>)
    %dma_wait3A_352 = arith.constant 0 : i32
    %dma_wait3A_353 = tpu.memref_slice %arg2[%add3A_307, %dma_wait3A_352] : memref<4096x4096xf32, #tpu.memory_space<hbm>> -> memref<4x4096xf32, #tpu.memory_space<hbm>>
    %dma_wait3A_354 = arith.constant 0 : i32
    %dma_wait3A_355 = tpu.memref_slice %arg2[%add3A_307, %dma_wait3A_354] : memref<4096x4096xf32, #tpu.memory_space<hbm>> -> memref<4x4096xf32, #tpu.memory_space<hbm>>
    tpu.wait_dma2 semaphore(%arg19 : memref<!tpu.dma_semaphore, #tpu.memory_space<semaphore_mem>>) src(%dma_wait3A_355 : memref<4x4096xf32, #tpu.memory_space<hbm>>) dst(%arg11 : memref<4x4096xf32, #tpu.memory_space<vmem>>)
    %add3A_356 = arith.constant 68 : i32
    %add3A_357 = arith.addi %mul3A_2, %add3A_356 : i32
    %dma_start3A_358 = arith.constant 0 : i32
    %dma_start3A_359 = tpu.memref_slice %arg5[%add3A_357, %dma_start3A_358] : memref<4096x4096xf32, #tpu.memory_space<hbm>> -> memref<4x4096xf32, #tpu.memory_space<hbm>>
    %dma_start3A_360 = arith.constant 0 : i32
    %dma_start3A_361 = tpu.memref_slice %arg5[%add3A_357, %dma_start3A_360] : memref<4096x4096xf32, #tpu.memory_space<hbm>> -> memref<4x4096xf32, #tpu.memory_space<hbm>>
    tpu.enqueue_dma source(%arg11 : memref<4x4096xf32, #tpu.memory_space<vmem>>) target(%dma_start3A_361 : memref<4x4096xf32, #tpu.memory_space<hbm>>) target_semaphore(%arg25 : memref<!tpu.dma_semaphore, #tpu.memory_space<semaphore_mem>>)
    %dma_wait3A_362 = arith.constant 0 : i32
    %dma_wait3A_363 = tpu.memref_slice %arg5[%add3A_297, %dma_wait3A_362] : memref<4096x4096xf32, #tpu.memory_space<hbm>> -> memref<4x4096xf32, #tpu.memory_space<hbm>>
    %dma_wait3A_364 = arith.constant 0 : i32
    %dma_wait3A_365 = tpu.memref_slice %arg5[%add3A_297, %dma_wait3A_364] : memref<4096x4096xf32, #tpu.memory_space<hbm>> -> memref<4x4096xf32, #tpu.memory_space<hbm>>
    tpu.wait_dma2 semaphore(%arg22 : memref<!tpu.dma_semaphore, #tpu.memory_space<semaphore_mem>>) src(%arg8 : memref<4x4096xf32, #tpu.memory_space<vmem>>) dst(%dma_wait3A_365 : memref<4x4096xf32, #tpu.memory_space<hbm>>)
    %add3A_366 = arith.constant 80 : i32
    %add3A_367 = arith.addi %mul3A_2, %add3A_366 : i32
    %dma_start3A_368 = arith.constant 0 : i32
    %dma_start3A_369 = tpu.memref_slice %arg2[%add3A_367, %dma_start3A_368] : memref<4096x4096xf32, #tpu.memory_space<hbm>> -> memref<4x4096xf32, #tpu.memory_space<hbm>>
    %dma_start3A_370 = arith.constant 0 : i32
    %dma_start3A_371 = tpu.memref_slice %arg2[%add3A_367, %dma_start3A_370] : memref<4096x4096xf32, #tpu.memory_space<hbm>> -> memref<4x4096xf32, #tpu.memory_space<hbm>>
    tpu.enqueue_dma source(%dma_start3A_371 : memref<4x4096xf32, #tpu.memory_space<hbm>>) target(%arg8 : memref<4x4096xf32, #tpu.memory_space<vmem>>) target_semaphore(%arg16 : memref<!tpu.dma_semaphore, #tpu.memory_space<semaphore_mem>>)
    %dma_wait3A_372 = arith.constant 0 : i32
    %dma_wait3A_373 = tpu.memref_slice %arg2[%add3A_327, %dma_wait3A_372] : memref<4096x4096xf32, #tpu.memory_space<hbm>> -> memref<4x4096xf32, #tpu.memory_space<hbm>>
    %dma_wait3A_374 = arith.constant 0 : i32
    %dma_wait3A_375 = tpu.memref_slice %arg2[%add3A_327, %dma_wait3A_374] : memref<4096x4096xf32, #tpu.memory_space<hbm>> -> memref<4x4096xf32, #tpu.memory_space<hbm>>
    tpu.wait_dma2 semaphore(%arg14 : memref<!tpu.dma_semaphore, #tpu.memory_space<semaphore_mem>>) src(%dma_wait3A_375 : memref<4x4096xf32, #tpu.memory_space<hbm>>) dst(%arg6 : memref<4x4096xf32, #tpu.memory_space<vmem>>)
    %add3A_376 = arith.constant 72 : i32
    %add3A_377 = arith.addi %mul3A_2, %add3A_376 : i32
    %dma_start3A_378 = arith.constant 0 : i32
    %dma_start3A_379 = tpu.memref_slice %arg5[%add3A_377, %dma_start3A_378] : memref<4096x4096xf32, #tpu.memory_space<hbm>> -> memref<4x4096xf32, #tpu.memory_space<hbm>>
    %dma_start3A_380 = arith.constant 0 : i32
    %dma_start3A_381 = tpu.memref_slice %arg5[%add3A_377, %dma_start3A_380] : memref<4096x4096xf32, #tpu.memory_space<hbm>> -> memref<4x4096xf32, #tpu.memory_space<hbm>>
    tpu.enqueue_dma source(%arg6 : memref<4x4096xf32, #tpu.memory_space<vmem>>) target(%dma_start3A_381 : memref<4x4096xf32, #tpu.memory_space<hbm>>) target_semaphore(%arg20 : memref<!tpu.dma_semaphore, #tpu.memory_space<semaphore_mem>>)
    %dma_wait3A_382 = arith.constant 0 : i32
    %dma_wait3A_383 = tpu.memref_slice %arg5[%add3A_317, %dma_wait3A_382] : memref<4096x4096xf32, #tpu.memory_space<hbm>> -> memref<4x4096xf32, #tpu.memory_space<hbm>>
    %dma_wait3A_384 = arith.constant 0 : i32
    %dma_wait3A_385 = tpu.memref_slice %arg5[%add3A_317, %dma_wait3A_384] : memref<4096x4096xf32, #tpu.memory_space<hbm>> -> memref<4x4096xf32, #tpu.memory_space<hbm>>
    tpu.wait_dma2 semaphore(%arg23 : memref<!tpu.dma_semaphore, #tpu.memory_space<semaphore_mem>>) src(%arg9 : memref<4x4096xf32, #tpu.memory_space<vmem>>) dst(%dma_wait3A_385 : memref<4x4096xf32, #tpu.memory_space<hbm>>)
    %add3A_386 = arith.constant 84 : i32
    %add3A_387 = arith.addi %mul3A_2, %add3A_386 : i32
    %dma_start3A_388 = arith.constant 0 : i32
    %dma_start3A_389 = tpu.memref_slice %arg2[%add3A_387, %dma_start3A_388] : memref<4096x4096xf32, #tpu.memory_space<hbm>> -> memref<4x4096xf32, #tpu.memory_space<hbm>>
    %dma_start3A_390 = arith.constant 0 : i32
    %dma_start3A_391 = tpu.memref_slice %arg2[%add3A_387, %dma_start3A_390] : memref<4096x4096xf32, #tpu.memory_space<hbm>> -> memref<4x4096xf32, #tpu.memory_space<hbm>>
    tpu.enqueue_dma source(%dma_start3A_391 : memref<4x4096xf32, #tpu.memory_space<hbm>>) target(%arg9 : memref<4x4096xf32, #tpu.memory_space<vmem>>) target_semaphore(%arg17 : memref<!tpu.dma_semaphore, #tpu.memory_space<semaphore_mem>>)
    %dma_wait3A_392 = arith.constant 0 : i32
    %dma_wait3A_393 = tpu.memref_slice %arg2[%add3A_347, %dma_wait3A_392] : memref<4096x4096xf32, #tpu.memory_space<hbm>> -> memref<4x4096xf32, #tpu.memory_space<hbm>>
    %dma_wait3A_394 = arith.constant 0 : i32
    %dma_wait3A_395 = tpu.memref_slice %arg2[%add3A_347, %dma_wait3A_394] : memref<4096x4096xf32, #tpu.memory_space<hbm>> -> memref<4x4096xf32, #tpu.memory_space<hbm>>
    tpu.wait_dma2 semaphore(%arg15 : memref<!tpu.dma_semaphore, #tpu.memory_space<semaphore_mem>>) src(%dma_wait3A_395 : memref<4x4096xf32, #tpu.memory_space<hbm>>) dst(%arg7 : memref<4x4096xf32, #tpu.memory_space<vmem>>)
    %add3A_396 = arith.constant 76 : i32
    %add3A_397 = arith.addi %mul3A_2, %add3A_396 : i32
    %dma_start3A_398 = arith.constant 0 : i32
    %dma_start3A_399 = tpu.memref_slice %arg5[%add3A_397, %dma_start3A_398] : memref<4096x4096xf32, #tpu.memory_space<hbm>> -> memref<4x4096xf32, #tpu.memory_space<hbm>>
    %dma_start3A_400 = arith.constant 0 : i32
    %dma_start3A_401 = tpu.memref_slice %arg5[%add3A_397, %dma_start3A_400] : memref<4096x4096xf32, #tpu.memory_space<hbm>> -> memref<4x4096xf32, #tpu.memory_space<hbm>>
    tpu.enqueue_dma source(%arg7 : memref<4x4096xf32, #tpu.memory_space<vmem>>) target(%dma_start3A_401 : memref<4x4096xf32, #tpu.memory_space<hbm>>) target_semaphore(%arg21 : memref<!tpu.dma_semaphore, #tpu.memory_space<semaphore_mem>>)
    %dma_wait3A_402 = arith.constant 0 : i32
    %dma_wait3A_403 = tpu.memref_slice %arg5[%add3A_337, %dma_wait3A_402] : memref<4096x4096xf32, #tpu.memory_space<hbm>> -> memref<4x4096xf32, #tpu.memory_space<hbm>>
    %dma_wait3A_404 = arith.constant 0 : i32
    %dma_wait3A_405 = tpu.memref_slice %arg5[%add3A_337, %dma_wait3A_404] : memref<4096x4096xf32, #tpu.memory_space<hbm>> -> memref<4x4096xf32, #tpu.memory_space<hbm>>
    tpu.wait_dma2 semaphore(%arg24 : memref<!tpu.dma_semaphore, #tpu.memory_space<semaphore_mem>>) src(%arg10 : memref<4x4096xf32, #tpu.memory_space<vmem>>) dst(%dma_wait3A_405 : memref<4x4096xf32, #tpu.memory_space<hbm>>)
    %add3A_406 = arith.constant 88 : i32
    %add3A_407 = arith.addi %mul3A_2, %add3A_406 : i32
    %dma_start3A_408 = arith.constant 0 : i32
    %dma_start3A_409 = tpu.memref_slice %arg2[%add3A_407, %dma_start3A_408] : memref<4096x4096xf32, #tpu.memory_space<hbm>> -> memref<4x4096xf32, #tpu.memory_space<hbm>>
    %dma_start3A_410 = arith.constant 0 : i32
    %dma_start3A_411 = tpu.memref_slice %arg2[%add3A_407, %dma_start3A_410] : memref<4096x4096xf32, #tpu.memory_space<hbm>> -> memref<4x4096xf32, #tpu.memory_space<hbm>>
    tpu.enqueue_dma source(%dma_start3A_411 : memref<4x4096xf32, #tpu.memory_space<hbm>>) target(%arg10 : memref<4x4096xf32, #tpu.memory_space<vmem>>) target_semaphore(%arg18 : memref<!tpu.dma_semaphore, #tpu.memory_space<semaphore_mem>>)
    %dma_wait3A_412 = arith.constant 0 : i32
    %dma_wait3A_413 = tpu.memref_slice %arg2[%add3A_367, %dma_wait3A_412] : memref<4096x4096xf32, #tpu.memory_space<hbm>> -> memref<4x4096xf32, #tpu.memory_space<hbm>>
    %dma_wait3A_414 = arith.constant 0 : i32
    %dma_wait3A_415 = tpu.memref_slice %arg2[%add3A_367, %dma_wait3A_414] : memref<4096x4096xf32, #tpu.memory_space<hbm>> -> memref<4x4096xf32, #tpu.memory_space<hbm>>
    tpu.wait_dma2 semaphore(%arg16 : memref<!tpu.dma_semaphore, #tpu.memory_space<semaphore_mem>>) src(%dma_wait3A_415 : memref<4x4096xf32, #tpu.memory_space<hbm>>) dst(%arg8 : memref<4x4096xf32, #tpu.memory_space<vmem>>)
    %add3A_416 = arith.constant 80 : i32
    %add3A_417 = arith.addi %mul3A_2, %add3A_416 : i32
    %dma_start3A_418 = arith.constant 0 : i32
    %dma_start3A_419 = tpu.memref_slice %arg5[%add3A_417, %dma_start3A_418] : memref<4096x4096xf32, #tpu.memory_space<hbm>> -> memref<4x4096xf32, #tpu.memory_space<hbm>>
    %dma_start3A_420 = arith.constant 0 : i32
    %dma_start3A_421 = tpu.memref_slice %arg5[%add3A_417, %dma_start3A_420] : memref<4096x4096xf32, #tpu.memory_space<hbm>> -> memref<4x4096xf32, #tpu.memory_space<hbm>>
    tpu.enqueue_dma source(%arg8 : memref<4x4096xf32, #tpu.memory_space<vmem>>) target(%dma_start3A_421 : memref<4x4096xf32, #tpu.memory_space<hbm>>) target_semaphore(%arg22 : memref<!tpu.dma_semaphore, #tpu.memory_space<semaphore_mem>>)
    %dma_wait3A_422 = arith.constant 0 : i32
    %dma_wait3A_423 = tpu.memref_slice %arg5[%add3A_357, %dma_wait3A_422] : memref<4096x4096xf32, #tpu.memory_space<hbm>> -> memref<4x4096xf32, #tpu.memory_space<hbm>>
    %dma_wait3A_424 = arith.constant 0 : i32
    %dma_wait3A_425 = tpu.memref_slice %arg5[%add3A_357, %dma_wait3A_424] : memref<4096x4096xf32, #tpu.memory_space<hbm>> -> memref<4x4096xf32, #tpu.memory_space<hbm>>
    tpu.wait_dma2 semaphore(%arg25 : memref<!tpu.dma_semaphore, #tpu.memory_space<semaphore_mem>>) src(%arg11 : memref<4x4096xf32, #tpu.memory_space<vmem>>) dst(%dma_wait3A_425 : memref<4x4096xf32, #tpu.memory_space<hbm>>)
    %add3A_426 = arith.constant 92 : i32
    %add3A_427 = arith.addi %mul3A_2, %add3A_426 : i32
    %dma_start3A_428 = arith.constant 0 : i32
    %dma_start3A_429 = tpu.memref_slice %arg2[%add3A_427, %dma_start3A_428] : memref<4096x4096xf32, #tpu.memory_space<hbm>> -> memref<4x4096xf32, #tpu.memory_space<hbm>>
    %dma_start3A_430 = arith.constant 0 : i32
    %dma_start3A_431 = tpu.memref_slice %arg2[%add3A_427, %dma_start3A_430] : memref<4096x4096xf32, #tpu.memory_space<hbm>> -> memref<4x4096xf32, #tpu.memory_space<hbm>>
    tpu.enqueue_dma source(%dma_start3A_431 : memref<4x4096xf32, #tpu.memory_space<hbm>>) target(%arg11 : memref<4x4096xf32, #tpu.memory_space<vmem>>) target_semaphore(%arg19 : memref<!tpu.dma_semaphore, #tpu.memory_space<semaphore_mem>>)
    %dma_wait3A_432 = arith.constant 0 : i32
    %dma_wait3A_433 = tpu.memref_slice %arg2[%add3A_387, %dma_wait3A_432] : memref<4096x4096xf32, #tpu.memory_space<hbm>> -> memref<4x4096xf32, #tpu.memory_space<hbm>>
    %dma_wait3A_434 = arith.constant 0 : i32
    %dma_wait3A_435 = tpu.memref_slice %arg2[%add3A_387, %dma_wait3A_434] : memref<4096x4096xf32, #tpu.memory_space<hbm>> -> memref<4x4096xf32, #tpu.memory_space<hbm>>
    tpu.wait_dma2 semaphore(%arg17 : memref<!tpu.dma_semaphore, #tpu.memory_space<semaphore_mem>>) src(%dma_wait3A_435 : memref<4x4096xf32, #tpu.memory_space<hbm>>) dst(%arg9 : memref<4x4096xf32, #tpu.memory_space<vmem>>)
    %add3A_436 = arith.constant 84 : i32
    %add3A_437 = arith.addi %mul3A_2, %add3A_436 : i32
    %dma_start3A_438 = arith.constant 0 : i32
    %dma_start3A_439 = tpu.memref_slice %arg5[%add3A_437, %dma_start3A_438] : memref<4096x4096xf32, #tpu.memory_space<hbm>> -> memref<4x4096xf32, #tpu.memory_space<hbm>>
    %dma_start3A_440 = arith.constant 0 : i32
    %dma_start3A_441 = tpu.memref_slice %arg5[%add3A_437, %dma_start3A_440] : memref<4096x4096xf32, #tpu.memory_space<hbm>> -> memref<4x4096xf32, #tpu.memory_space<hbm>>
    tpu.enqueue_dma source(%arg9 : memref<4x4096xf32, #tpu.memory_space<vmem>>) target(%dma_start3A_441 : memref<4x4096xf32, #tpu.memory_space<hbm>>) target_semaphore(%arg23 : memref<!tpu.dma_semaphore, #tpu.memory_space<semaphore_mem>>)
    %dma_wait3A_442 = arith.constant 0 : i32
    %dma_wait3A_443 = tpu.memref_slice %arg5[%add3A_377, %dma_wait3A_442] : memref<4096x4096xf32, #tpu.memory_space<hbm>> -> memref<4x4096xf32, #tpu.memory_space<hbm>>
    %dma_wait3A_444 = arith.constant 0 : i32
    %dma_wait3A_445 = tpu.memref_slice %arg5[%add3A_377, %dma_wait3A_444] : memref<4096x4096xf32, #tpu.memory_space<hbm>> -> memref<4x4096xf32, #tpu.memory_space<hbm>>
    tpu.wait_dma2 semaphore(%arg20 : memref<!tpu.dma_semaphore, #tpu.memory_space<semaphore_mem>>) src(%arg6 : memref<4x4096xf32, #tpu.memory_space<vmem>>) dst(%dma_wait3A_445 : memref<4x4096xf32, #tpu.memory_space<hbm>>)
    %add3A_446 = arith.constant 96 : i32
    %add3A_447 = arith.addi %mul3A_2, %add3A_446 : i32
    %dma_start3A_448 = arith.constant 0 : i32
    %dma_start3A_449 = tpu.memref_slice %arg2[%add3A_447, %dma_start3A_448] : memref<4096x4096xf32, #tpu.memory_space<hbm>> -> memref<4x4096xf32, #tpu.memory_space<hbm>>
    %dma_start3A_450 = arith.constant 0 : i32
    %dma_start3A_451 = tpu.memref_slice %arg2[%add3A_447, %dma_start3A_450] : memref<4096x4096xf32, #tpu.memory_space<hbm>> -> memref<4x4096xf32, #tpu.memory_space<hbm>>
    tpu.enqueue_dma source(%dma_start3A_451 : memref<4x4096xf32, #tpu.memory_space<hbm>>) target(%arg6 : memref<4x4096xf32, #tpu.memory_space<vmem>>) target_semaphore(%arg14 : memref<!tpu.dma_semaphore, #tpu.memory_space<semaphore_mem>>)
    %dma_wait3A_452 = arith.constant 0 : i32
    %dma_wait3A_453 = tpu.memref_slice %arg2[%add3A_407, %dma_wait3A_452] : memref<4096x4096xf32, #tpu.memory_space<hbm>> -> memref<4x4096xf32, #tpu.memory_space<hbm>>
    %dma_wait3A_454 = arith.constant 0 : i32
    %dma_wait3A_455 = tpu.memref_slice %arg2[%add3A_407, %dma_wait3A_454] : memref<4096x4096xf32, #tpu.memory_space<hbm>> -> memref<4x4096xf32, #tpu.memory_space<hbm>>
    tpu.wait_dma2 semaphore(%arg18 : memref<!tpu.dma_semaphore, #tpu.memory_space<semaphore_mem>>) src(%dma_wait3A_455 : memref<4x4096xf32, #tpu.memory_space<hbm>>) dst(%arg10 : memref<4x4096xf32, #tpu.memory_space<vmem>>)
    %add3A_456 = arith.constant 88 : i32
    %add3A_457 = arith.addi %mul3A_2, %add3A_456 : i32
    %dma_start3A_458 = arith.constant 0 : i32
    %dma_start3A_459 = tpu.memref_slice %arg5[%add3A_457, %dma_start3A_458] : memref<4096x4096xf32, #tpu.memory_space<hbm>> -> memref<4x4096xf32, #tpu.memory_space<hbm>>
    %dma_start3A_460 = arith.constant 0 : i32
    %dma_start3A_461 = tpu.memref_slice %arg5[%add3A_457, %dma_start3A_460] : memref<4096x4096xf32, #tpu.memory_space<hbm>> -> memref<4x4096xf32, #tpu.memory_space<hbm>>
    tpu.enqueue_dma source(%arg10 : memref<4x4096xf32, #tpu.memory_space<vmem>>) target(%dma_start3A_461 : memref<4x4096xf32, #tpu.memory_space<hbm>>) target_semaphore(%arg24 : memref<!tpu.dma_semaphore, #tpu.memory_space<semaphore_mem>>)
    %dma_wait3A_462 = arith.constant 0 : i32
    %dma_wait3A_463 = tpu.memref_slice %arg5[%add3A_397, %dma_wait3A_462] : memref<4096x4096xf32, #tpu.memory_space<hbm>> -> memref<4x4096xf32, #tpu.memory_space<hbm>>
    %dma_wait3A_464 = arith.constant 0 : i32
    %dma_wait3A_465 = tpu.memref_slice %arg5[%add3A_397, %dma_wait3A_464] : memref<4096x4096xf32, #tpu.memory_space<hbm>> -> memref<4x4096xf32, #tpu.memory_space<hbm>>
    tpu.wait_dma2 semaphore(%arg21 : memref<!tpu.dma_semaphore, #tpu.memory_space<semaphore_mem>>) src(%arg7 : memref<4x4096xf32, #tpu.memory_space<vmem>>) dst(%dma_wait3A_465 : memref<4x4096xf32, #tpu.memory_space<hbm>>)
    %add3A_466 = arith.constant 100 : i32
    %add3A_467 = arith.addi %mul3A_2, %add3A_466 : i32
    %dma_start3A_468 = arith.constant 0 : i32
    %dma_start3A_469 = tpu.memref_slice %arg2[%add3A_467, %dma_start3A_468] : memref<4096x4096xf32, #tpu.memory_space<hbm>> -> memref<4x4096xf32, #tpu.memory_space<hbm>>
    %dma_start3A_470 = arith.constant 0 : i32
    %dma_start3A_471 = tpu.memref_slice %arg2[%add3A_467, %dma_start3A_470] : memref<4096x4096xf32, #tpu.memory_space<hbm>> -> memref<4x4096xf32, #tpu.memory_space<hbm>>
    tpu.enqueue_dma source(%dma_start3A_471 : memref<4x4096xf32, #tpu.memory_space<hbm>>) target(%arg7 : memref<4x4096xf32, #tpu.memory_space<vmem>>) target_semaphore(%arg15 : memref<!tpu.dma_semaphore, #tpu.memory_space<semaphore_mem>>)
    %dma_wait3A_472 = arith.constant 0 : i32
    %dma_wait3A_473 = tpu.memref_slice %arg2[%add3A_427, %dma_wait3A_472] : memref<4096x4096xf32, #tpu.memory_space<hbm>> -> memref<4x4096xf32, #tpu.memory_space<hbm>>
    %dma_wait3A_474 = arith.constant 0 : i32
    %dma_wait3A_475 = tpu.memref_slice %arg2[%add3A_427, %dma_wait3A_474] : memref<4096x4096xf32, #tpu.memory_space<hbm>> -> memref<4x4096xf32, #tpu.memory_space<hbm>>
    tpu.wait_dma2 semaphore(%arg19 : memref<!tpu.dma_semaphore, #tpu.memory_space<semaphore_mem>>) src(%dma_wait3A_475 : memref<4x4096xf32, #tpu.memory_space<hbm>>) dst(%arg11 : memref<4x4096xf32, #tpu.memory_space<vmem>>)
    %add3A_476 = arith.constant 92 : i32
    %add3A_477 = arith.addi %mul3A_2, %add3A_476 : i32
    %dma_start3A_478 = arith.constant 0 : i32
    %dma_start3A_479 = tpu.memref_slice %arg5[%add3A_477, %dma_start3A_478] : memref<4096x4096xf32, #tpu.memory_space<hbm>> -> memref<4x4096xf32, #tpu.memory_space<hbm>>
    %dma_start3A_480 = arith.constant 0 : i32
    %dma_start3A_481 = tpu.memref_slice %arg5[%add3A_477, %dma_start3A_480] : memref<4096x4096xf32, #tpu.memory_space<hbm>> -> memref<4x4096xf32, #tpu.memory_space<hbm>>
    tpu.enqueue_dma source(%arg11 : memref<4x4096xf32, #tpu.memory_space<vmem>>) target(%dma_start3A_481 : memref<4x4096xf32, #tpu.memory_space<hbm>>) target_semaphore(%arg25 : memref<!tpu.dma_semaphore, #tpu.memory_space<semaphore_mem>>)
    %dma_wait3A_482 = arith.constant 0 : i32
    %dma_wait3A_483 = tpu.memref_slice %arg5[%add3A_417, %dma_wait3A_482] : memref<4096x4096xf32, #tpu.memory_space<hbm>> -> memref<4x4096xf32, #tpu.memory_space<hbm>>
    %dma_wait3A_484 = arith.constant 0 : i32
    %dma_wait3A_485 = tpu.memref_slice %arg5[%add3A_417, %dma_wait3A_484] : memref<4096x4096xf32, #tpu.memory_space<hbm>> -> memref<4x4096xf32, #tpu.memory_space<hbm>>
    tpu.wait_dma2 semaphore(%arg22 : memref<!tpu.dma_semaphore, #tpu.memory_space<semaphore_mem>>) src(%arg8 : memref<4x4096xf32, #tpu.memory_space<vmem>>) dst(%dma_wait3A_485 : memref<4x4096xf32, #tpu.memory_space<hbm>>)
    %add3A_486 = arith.constant 104 : i32
    %add3A_487 = arith.addi %mul3A_2, %add3A_486 : i32
    %dma_start3A_488 = arith.constant 0 : i32
    %dma_start3A_489 = tpu.memref_slice %arg2[%add3A_487, %dma_start3A_488] : memref<4096x4096xf32, #tpu.memory_space<hbm>> -> memref<4x4096xf32, #tpu.memory_space<hbm>>
    %dma_start3A_490 = arith.constant 0 : i32
    %dma_start3A_491 = tpu.memref_slice %arg2[%add3A_487, %dma_start3A_490] : memref<4096x4096xf32, #tpu.memory_space<hbm>> -> memref<4x4096xf32, #tpu.memory_space<hbm>>
    tpu.enqueue_dma source(%dma_start3A_491 : memref<4x4096xf32, #tpu.memory_space<hbm>>) target(%arg8 : memref<4x4096xf32, #tpu.memory_space<vmem>>) target_semaphore(%arg16 : memref<!tpu.dma_semaphore, #tpu.memory_space<semaphore_mem>>)
    %dma_wait3A_492 = arith.constant 0 : i32
    %dma_wait3A_493 = tpu.memref_slice %arg2[%add3A_447, %dma_wait3A_492] : memref<4096x4096xf32, #tpu.memory_space<hbm>> -> memref<4x4096xf32, #tpu.memory_space<hbm>>
    %dma_wait3A_494 = arith.constant 0 : i32
    %dma_wait3A_495 = tpu.memref_slice %arg2[%add3A_447, %dma_wait3A_494] : memref<4096x4096xf32, #tpu.memory_space<hbm>> -> memref<4x4096xf32, #tpu.memory_space<hbm>>
    tpu.wait_dma2 semaphore(%arg14 : memref<!tpu.dma_semaphore, #tpu.memory_space<semaphore_mem>>) src(%dma_wait3A_495 : memref<4x4096xf32, #tpu.memory_space<hbm>>) dst(%arg6 : memref<4x4096xf32, #tpu.memory_space<vmem>>)
    %add3A_496 = arith.constant 96 : i32
    %add3A_497 = arith.addi %mul3A_2, %add3A_496 : i32
    %dma_start3A_498 = arith.constant 0 : i32
    %dma_start3A_499 = tpu.memref_slice %arg5[%add3A_497, %dma_start3A_498] : memref<4096x4096xf32, #tpu.memory_space<hbm>> -> memref<4x4096xf32, #tpu.memory_space<hbm>>
    %dma_start3A_500 = arith.constant 0 : i32
    %dma_start3A_501 = tpu.memref_slice %arg5[%add3A_497, %dma_start3A_500] : memref<4096x4096xf32, #tpu.memory_space<hbm>> -> memref<4x4096xf32, #tpu.memory_space<hbm>>
    tpu.enqueue_dma source(%arg6 : memref<4x4096xf32, #tpu.memory_space<vmem>>) target(%dma_start3A_501 : memref<4x4096xf32, #tpu.memory_space<hbm>>) target_semaphore(%arg20 : memref<!tpu.dma_semaphore, #tpu.memory_space<semaphore_mem>>)
    %dma_wait3A_502 = arith.constant 0 : i32
    %dma_wait3A_503 = tpu.memref_slice %arg5[%add3A_437, %dma_wait3A_502] : memref<4096x4096xf32, #tpu.memory_space<hbm>> -> memref<4x4096xf32, #tpu.memory_space<hbm>>
    %dma_wait3A_504 = arith.constant 0 : i32
    %dma_wait3A_505 = tpu.memref_slice %arg5[%add3A_437, %dma_wait3A_504] : memref<4096x4096xf32, #tpu.memory_space<hbm>> -> memref<4x4096xf32, #tpu.memory_space<hbm>>
    tpu.wait_dma2 semaphore(%arg23 : memref<!tpu.dma_semaphore, #tpu.memory_space<semaphore_mem>>) src(%arg9 : memref<4x4096xf32, #tpu.memory_space<vmem>>) dst(%dma_wait3A_505 : memref<4x4096xf32, #tpu.memory_space<hbm>>)
    %add3A_506 = arith.constant 108 : i32
    %add3A_507 = arith.addi %mul3A_2, %add3A_506 : i32
    %dma_start3A_508 = arith.constant 0 : i32
    %dma_start3A_509 = tpu.memref_slice %arg2[%add3A_507, %dma_start3A_508] : memref<4096x4096xf32, #tpu.memory_space<hbm>> -> memref<4x4096xf32, #tpu.memory_space<hbm>>
    %dma_start3A_510 = arith.constant 0 : i32
    %dma_start3A_511 = tpu.memref_slice %arg2[%add3A_507, %dma_start3A_510] : memref<4096x4096xf32, #tpu.memory_space<hbm>> -> memref<4x4096xf32, #tpu.memory_space<hbm>>
    tpu.enqueue_dma source(%dma_start3A_511 : memref<4x4096xf32, #tpu.memory_space<hbm>>) target(%arg9 : memref<4x4096xf32, #tpu.memory_space<vmem>>) target_semaphore(%arg17 : memref<!tpu.dma_semaphore, #tpu.memory_space<semaphore_mem>>)
    %dma_wait3A_512 = arith.constant 0 : i32
    %dma_wait3A_513 = tpu.memref_slice %arg2[%add3A_467, %dma_wait3A_512] : memref<4096x4096xf32, #tpu.memory_space<hbm>> -> memref<4x4096xf32, #tpu.memory_space<hbm>>
    %dma_wait3A_514 = arith.constant 0 : i32
    %dma_wait3A_515 = tpu.memref_slice %arg2[%add3A_467, %dma_wait3A_514] : memref<4096x4096xf32, #tpu.memory_space<hbm>> -> memref<4x4096xf32, #tpu.memory_space<hbm>>
    tpu.wait_dma2 semaphore(%arg15 : memref<!tpu.dma_semaphore, #tpu.memory_space<semaphore_mem>>) src(%dma_wait3A_515 : memref<4x4096xf32, #tpu.memory_space<hbm>>) dst(%arg7 : memref<4x4096xf32, #tpu.memory_space<vmem>>)
    %add3A_516 = arith.constant 100 : i32
    %add3A_517 = arith.addi %mul3A_2, %add3A_516 : i32
    %dma_start3A_518 = arith.constant 0 : i32
    %dma_start3A_519 = tpu.memref_slice %arg5[%add3A_517, %dma_start3A_518] : memref<4096x4096xf32, #tpu.memory_space<hbm>> -> memref<4x4096xf32, #tpu.memory_space<hbm>>
    %dma_start3A_520 = arith.constant 0 : i32
    %dma_start3A_521 = tpu.memref_slice %arg5[%add3A_517, %dma_start3A_520] : memref<4096x4096xf32, #tpu.memory_space<hbm>> -> memref<4x4096xf32, #tpu.memory_space<hbm>>
    tpu.enqueue_dma source(%arg7 : memref<4x4096xf32, #tpu.memory_space<vmem>>) target(%dma_start3A_521 : memref<4x4096xf32, #tpu.memory_space<hbm>>) target_semaphore(%arg21 : memref<!tpu.dma_semaphore, #tpu.memory_space<semaphore_mem>>)
    %dma_wait3A_522 = arith.constant 0 : i32
    %dma_wait3A_523 = tpu.memref_slice %arg5[%add3A_457, %dma_wait3A_522] : memref<4096x4096xf32, #tpu.memory_space<hbm>> -> memref<4x4096xf32, #tpu.memory_space<hbm>>
    %dma_wait3A_524 = arith.constant 0 : i32
    %dma_wait3A_525 = tpu.memref_slice %arg5[%add3A_457, %dma_wait3A_524] : memref<4096x4096xf32, #tpu.memory_space<hbm>> -> memref<4x4096xf32, #tpu.memory_space<hbm>>
    tpu.wait_dma2 semaphore(%arg24 : memref<!tpu.dma_semaphore, #tpu.memory_space<semaphore_mem>>) src(%arg10 : memref<4x4096xf32, #tpu.memory_space<vmem>>) dst(%dma_wait3A_525 : memref<4x4096xf32, #tpu.memory_space<hbm>>)
    %add3A_526 = arith.constant 112 : i32
    %add3A_527 = arith.addi %mul3A_2, %add3A_526 : i32
    %dma_start3A_528 = arith.constant 0 : i32
    %dma_start3A_529 = tpu.memref_slice %arg2[%add3A_527, %dma_start3A_528] : memref<4096x4096xf32, #tpu.memory_space<hbm>> -> memref<4x4096xf32, #tpu.memory_space<hbm>>
    %dma_start3A_530 = arith.constant 0 : i32
    %dma_start3A_531 = tpu.memref_slice %arg2[%add3A_527, %dma_start3A_530] : memref<4096x4096xf32, #tpu.memory_space<hbm>> -> memref<4x4096xf32, #tpu.memory_space<hbm>>
    tpu.enqueue_dma source(%dma_start3A_531 : memref<4x4096xf32, #tpu.memory_space<hbm>>) target(%arg10 : memref<4x4096xf32, #tpu.memory_space<vmem>>) target_semaphore(%arg18 : memref<!tpu.dma_semaphore, #tpu.memory_space<semaphore_mem>>)
    %dma_wait3A_532 = arith.constant 0 : i32
    %dma_wait3A_533 = tpu.memref_slice %arg2[%add3A_487, %dma_wait3A_532] : memref<4096x4096xf32, #tpu.memory_space<hbm>> -> memref<4x4096xf32, #tpu.memory_space<hbm>>
    %dma_wait3A_534 = arith.constant 0 : i32
    %dma_wait3A_535 = tpu.memref_slice %arg2[%add3A_487, %dma_wait3A_534] : memref<4096x4096xf32, #tpu.memory_space<hbm>> -> memref<4x4096xf32, #tpu.memory_space<hbm>>
    tpu.wait_dma2 semaphore(%arg16 : memref<!tpu.dma_semaphore, #tpu.memory_space<semaphore_mem>>) src(%dma_wait3A_535 : memref<4x4096xf32, #tpu.memory_space<hbm>>) dst(%arg8 : memref<4x4096xf32, #tpu.memory_space<vmem>>)
    %add3A_536 = arith.constant 104 : i32
    %add3A_537 = arith.addi %mul3A_2, %add3A_536 : i32
    %dma_start3A_538 = arith.constant 0 : i32
    %dma_start3A_539 = tpu.memref_slice %arg5[%add3A_537, %dma_start3A_538] : memref<4096x4096xf32, #tpu.memory_space<hbm>> -> memref<4x4096xf32, #tpu.memory_space<hbm>>
    %dma_start3A_540 = arith.constant 0 : i32
    %dma_start3A_541 = tpu.memref_slice %arg5[%add3A_537, %dma_start3A_540] : memref<4096x4096xf32, #tpu.memory_space<hbm>> -> memref<4x4096xf32, #tpu.memory_space<hbm>>
    tpu.enqueue_dma source(%arg8 : memref<4x4096xf32, #tpu.memory_space<vmem>>) target(%dma_start3A_541 : memref<4x4096xf32, #tpu.memory_space<hbm>>) target_semaphore(%arg22 : memref<!tpu.dma_semaphore, #tpu.memory_space<semaphore_mem>>)
    %dma_wait3A_542 = arith.constant 0 : i32
    %dma_wait3A_543 = tpu.memref_slice %arg5[%add3A_477, %dma_wait3A_542] : memref<4096x4096xf32, #tpu.memory_space<hbm>> -> memref<4x4096xf32, #tpu.memory_space<hbm>>
    %dma_wait3A_544 = arith.constant 0 : i32
    %dma_wait3A_545 = tpu.memref_slice %arg5[%add3A_477, %dma_wait3A_544] : memref<4096x4096xf32, #tpu.memory_space<hbm>> -> memref<4x4096xf32, #tpu.memory_space<hbm>>
    tpu.wait_dma2 semaphore(%arg25 : memref<!tpu.dma_semaphore, #tpu.memory_space<semaphore_mem>>) src(%arg11 : memref<4x4096xf32, #tpu.memory_space<vmem>>) dst(%dma_wait3A_545 : memref<4x4096xf32, #tpu.memory_space<hbm>>)
    %add3A_546 = arith.constant 116 : i32
    %add3A_547 = arith.addi %mul3A_2, %add3A_546 : i32
    %dma_start3A_548 = arith.constant 0 : i32
    %dma_start3A_549 = tpu.memref_slice %arg2[%add3A_547, %dma_start3A_548] : memref<4096x4096xf32, #tpu.memory_space<hbm>> -> memref<4x4096xf32, #tpu.memory_space<hbm>>
    %dma_start3A_550 = arith.constant 0 : i32
    %dma_start3A_551 = tpu.memref_slice %arg2[%add3A_547, %dma_start3A_550] : memref<4096x4096xf32, #tpu.memory_space<hbm>> -> memref<4x4096xf32, #tpu.memory_space<hbm>>
    tpu.enqueue_dma source(%dma_start3A_551 : memref<4x4096xf32, #tpu.memory_space<hbm>>) target(%arg11 : memref<4x4096xf32, #tpu.memory_space<vmem>>) target_semaphore(%arg19 : memref<!tpu.dma_semaphore, #tpu.memory_space<semaphore_mem>>)
    %dma_wait3A_552 = arith.constant 0 : i32
    %dma_wait3A_553 = tpu.memref_slice %arg2[%add3A_507, %dma_wait3A_552] : memref<4096x4096xf32, #tpu.memory_space<hbm>> -> memref<4x4096xf32, #tpu.memory_space<hbm>>
    %dma_wait3A_554 = arith.constant 0 : i32
    %dma_wait3A_555 = tpu.memref_slice %arg2[%add3A_507, %dma_wait3A_554] : memref<4096x4096xf32, #tpu.memory_space<hbm>> -> memref<4x4096xf32, #tpu.memory_space<hbm>>
    tpu.wait_dma2 semaphore(%arg17 : memref<!tpu.dma_semaphore, #tpu.memory_space<semaphore_mem>>) src(%dma_wait3A_555 : memref<4x4096xf32, #tpu.memory_space<hbm>>) dst(%arg9 : memref<4x4096xf32, #tpu.memory_space<vmem>>)
    %add3A_556 = arith.constant 108 : i32
    %add3A_557 = arith.addi %mul3A_2, %add3A_556 : i32
    %dma_start3A_558 = arith.constant 0 : i32
    %dma_start3A_559 = tpu.memref_slice %arg5[%add3A_557, %dma_start3A_558] : memref<4096x4096xf32, #tpu.memory_space<hbm>> -> memref<4x4096xf32, #tpu.memory_space<hbm>>
    %dma_start3A_560 = arith.constant 0 : i32
    %dma_start3A_561 = tpu.memref_slice %arg5[%add3A_557, %dma_start3A_560] : memref<4096x4096xf32, #tpu.memory_space<hbm>> -> memref<4x4096xf32, #tpu.memory_space<hbm>>
    tpu.enqueue_dma source(%arg9 : memref<4x4096xf32, #tpu.memory_space<vmem>>) target(%dma_start3A_561 : memref<4x4096xf32, #tpu.memory_space<hbm>>) target_semaphore(%arg23 : memref<!tpu.dma_semaphore, #tpu.memory_space<semaphore_mem>>)
    %dma_wait3A_562 = arith.constant 0 : i32
    %dma_wait3A_563 = tpu.memref_slice %arg5[%add3A_497, %dma_wait3A_562] : memref<4096x4096xf32, #tpu.memory_space<hbm>> -> memref<4x4096xf32, #tpu.memory_space<hbm>>
    %dma_wait3A_564 = arith.constant 0 : i32
    %dma_wait3A_565 = tpu.memref_slice %arg5[%add3A_497, %dma_wait3A_564] : memref<4096x4096xf32, #tpu.memory_space<hbm>> -> memref<4x4096xf32, #tpu.memory_space<hbm>>
    tpu.wait_dma2 semaphore(%arg20 : memref<!tpu.dma_semaphore, #tpu.memory_space<semaphore_mem>>) src(%arg6 : memref<4x4096xf32, #tpu.memory_space<vmem>>) dst(%dma_wait3A_565 : memref<4x4096xf32, #tpu.memory_space<hbm>>)
    %add3A_566 = arith.constant 120 : i32
    %add3A_567 = arith.addi %mul3A_2, %add3A_566 : i32
    %dma_start3A_568 = arith.constant 0 : i32
    %dma_start3A_569 = tpu.memref_slice %arg2[%add3A_567, %dma_start3A_568] : memref<4096x4096xf32, #tpu.memory_space<hbm>> -> memref<4x4096xf32, #tpu.memory_space<hbm>>
    %dma_start3A_570 = arith.constant 0 : i32
    %dma_start3A_571 = tpu.memref_slice %arg2[%add3A_567, %dma_start3A_570] : memref<4096x4096xf32, #tpu.memory_space<hbm>> -> memref<4x4096xf32, #tpu.memory_space<hbm>>
    tpu.enqueue_dma source(%dma_start3A_571 : memref<4x4096xf32, #tpu.memory_space<hbm>>) target(%arg6 : memref<4x4096xf32, #tpu.memory_space<vmem>>) target_semaphore(%arg14 : memref<!tpu.dma_semaphore, #tpu.memory_space<semaphore_mem>>)
    %dma_wait3A_572 = arith.constant 0 : i32
    %dma_wait3A_573 = tpu.memref_slice %arg2[%add3A_527, %dma_wait3A_572] : memref<4096x4096xf32, #tpu.memory_space<hbm>> -> memref<4x4096xf32, #tpu.memory_space<hbm>>
    %dma_wait3A_574 = arith.constant 0 : i32
    %dma_wait3A_575 = tpu.memref_slice %arg2[%add3A_527, %dma_wait3A_574] : memref<4096x4096xf32, #tpu.memory_space<hbm>> -> memref<4x4096xf32, #tpu.memory_space<hbm>>
    tpu.wait_dma2 semaphore(%arg18 : memref<!tpu.dma_semaphore, #tpu.memory_space<semaphore_mem>>) src(%dma_wait3A_575 : memref<4x4096xf32, #tpu.memory_space<hbm>>) dst(%arg10 : memref<4x4096xf32, #tpu.memory_space<vmem>>)
    %add3A_576 = arith.constant 112 : i32
    %add3A_577 = arith.addi %mul3A_2, %add3A_576 : i32
    %dma_start3A_578 = arith.constant 0 : i32
    %dma_start3A_579 = tpu.memref_slice %arg5[%add3A_577, %dma_start3A_578] : memref<4096x4096xf32, #tpu.memory_space<hbm>> -> memref<4x4096xf32, #tpu.memory_space<hbm>>
    %dma_start3A_580 = arith.constant 0 : i32
    %dma_start3A_581 = tpu.memref_slice %arg5[%add3A_577, %dma_start3A_580] : memref<4096x4096xf32, #tpu.memory_space<hbm>> -> memref<4x4096xf32, #tpu.memory_space<hbm>>
    tpu.enqueue_dma source(%arg10 : memref<4x4096xf32, #tpu.memory_space<vmem>>) target(%dma_start3A_581 : memref<4x4096xf32, #tpu.memory_space<hbm>>) target_semaphore(%arg24 : memref<!tpu.dma_semaphore, #tpu.memory_space<semaphore_mem>>)
    %dma_wait3A_582 = arith.constant 0 : i32
    %dma_wait3A_583 = tpu.memref_slice %arg5[%add3A_517, %dma_wait3A_582] : memref<4096x4096xf32, #tpu.memory_space<hbm>> -> memref<4x4096xf32, #tpu.memory_space<hbm>>
    %dma_wait3A_584 = arith.constant 0 : i32
    %dma_wait3A_585 = tpu.memref_slice %arg5[%add3A_517, %dma_wait3A_584] : memref<4096x4096xf32, #tpu.memory_space<hbm>> -> memref<4x4096xf32, #tpu.memory_space<hbm>>
    tpu.wait_dma2 semaphore(%arg21 : memref<!tpu.dma_semaphore, #tpu.memory_space<semaphore_mem>>) src(%arg7 : memref<4x4096xf32, #tpu.memory_space<vmem>>) dst(%dma_wait3A_585 : memref<4x4096xf32, #tpu.memory_space<hbm>>)
    %add3A_586 = arith.constant 124 : i32
    %add3A_587 = arith.addi %mul3A_2, %add3A_586 : i32
    %dma_start3A_588 = arith.constant 0 : i32
    %dma_start3A_589 = tpu.memref_slice %arg2[%add3A_587, %dma_start3A_588] : memref<4096x4096xf32, #tpu.memory_space<hbm>> -> memref<4x4096xf32, #tpu.memory_space<hbm>>
    %dma_start3A_590 = arith.constant 0 : i32
    %dma_start3A_591 = tpu.memref_slice %arg2[%add3A_587, %dma_start3A_590] : memref<4096x4096xf32, #tpu.memory_space<hbm>> -> memref<4x4096xf32, #tpu.memory_space<hbm>>
    tpu.enqueue_dma source(%dma_start3A_591 : memref<4x4096xf32, #tpu.memory_space<hbm>>) target(%arg7 : memref<4x4096xf32, #tpu.memory_space<vmem>>) target_semaphore(%arg15 : memref<!tpu.dma_semaphore, #tpu.memory_space<semaphore_mem>>)
    %dma_wait3A_592 = arith.constant 0 : i32
    %dma_wait3A_593 = tpu.memref_slice %arg2[%add3A_547, %dma_wait3A_592] : memref<4096x4096xf32, #tpu.memory_space<hbm>> -> memref<4x4096xf32, #tpu.memory_space<hbm>>
    %dma_wait3A_594 = arith.constant 0 : i32
    %dma_wait3A_595 = tpu.memref_slice %arg2[%add3A_547, %dma_wait3A_594] : memref<4096x4096xf32, #tpu.memory_space<hbm>> -> memref<4x4096xf32, #tpu.memory_space<hbm>>
    tpu.wait_dma2 semaphore(%arg19 : memref<!tpu.dma_semaphore, #tpu.memory_space<semaphore_mem>>) src(%dma_wait3A_595 : memref<4x4096xf32, #tpu.memory_space<hbm>>) dst(%arg11 : memref<4x4096xf32, #tpu.memory_space<vmem>>)
    %add3A_596 = arith.constant 116 : i32
    %add3A_597 = arith.addi %mul3A_2, %add3A_596 : i32
    %dma_start3A_598 = arith.constant 0 : i32
    %dma_start3A_599 = tpu.memref_slice %arg5[%add3A_597, %dma_start3A_598] : memref<4096x4096xf32, #tpu.memory_space<hbm>> -> memref<4x4096xf32, #tpu.memory_space<hbm>>
    %dma_start3A_600 = arith.constant 0 : i32
    %dma_start3A_601 = tpu.memref_slice %arg5[%add3A_597, %dma_start3A_600] : memref<4096x4096xf32, #tpu.memory_space<hbm>> -> memref<4x4096xf32, #tpu.memory_space<hbm>>
    tpu.enqueue_dma source(%arg11 : memref<4x4096xf32, #tpu.memory_space<vmem>>) target(%dma_start3A_601 : memref<4x4096xf32, #tpu.memory_space<hbm>>) target_semaphore(%arg25 : memref<!tpu.dma_semaphore, #tpu.memory_space<semaphore_mem>>)
    %dma_wait3A_602 = arith.constant 0 : i32
    %dma_wait3A_603 = tpu.memref_slice %arg2[%add3A_567, %dma_wait3A_602] : memref<4096x4096xf32, #tpu.memory_space<hbm>> -> memref<4x4096xf32, #tpu.memory_space<hbm>>
    %dma_wait3A_604 = arith.constant 0 : i32
    %dma_wait3A_605 = tpu.memref_slice %arg2[%add3A_567, %dma_wait3A_604] : memref<4096x4096xf32, #tpu.memory_space<hbm>> -> memref<4x4096xf32, #tpu.memory_space<hbm>>
    tpu.wait_dma2 semaphore(%arg14 : memref<!tpu.dma_semaphore, #tpu.memory_space<semaphore_mem>>) src(%dma_wait3A_605 : memref<4x4096xf32, #tpu.memory_space<hbm>>) dst(%arg6 : memref<4x4096xf32, #tpu.memory_space<vmem>>)
    %add3A_606 = arith.constant 120 : i32
    %add3A_607 = arith.addi %mul3A_2, %add3A_606 : i32
    %dma_start3A_608 = arith.constant 0 : i32
    %dma_start3A_609 = tpu.memref_slice %arg5[%add3A_607, %dma_start3A_608] : memref<4096x4096xf32, #tpu.memory_space<hbm>> -> memref<4x4096xf32, #tpu.memory_space<hbm>>
    %dma_start3A_610 = arith.constant 0 : i32
    %dma_start3A_611 = tpu.memref_slice %arg5[%add3A_607, %dma_start3A_610] : memref<4096x4096xf32, #tpu.memory_space<hbm>> -> memref<4x4096xf32, #tpu.memory_space<hbm>>
    tpu.enqueue_dma source(%arg6 : memref<4x4096xf32, #tpu.memory_space<vmem>>) target(%dma_start3A_611 : memref<4x4096xf32, #tpu.memory_space<hbm>>) target_semaphore(%arg20 : memref<!tpu.dma_semaphore, #tpu.memory_space<semaphore_mem>>)
    %dma_wait3A_612 = arith.constant 0 : i32
    %dma_wait3A_613 = tpu.memref_slice %arg2[%add3A_587, %dma_wait3A_612] : memref<4096x4096xf32, #tpu.memory_space<hbm>> -> memref<4x4096xf32, #tpu.memory_space<hbm>>
    %dma_wait3A_614 = arith.constant 0 : i32
    %dma_wait3A_615 = tpu.memref_slice %arg2[%add3A_587, %dma_wait3A_614] : memref<4096x4096xf32, #tpu.memory_space<hbm>> -> memref<4x4096xf32, #tpu.memory_space<hbm>>
    tpu.wait_dma2 semaphore(%arg15 : memref<!tpu.dma_semaphore, #tpu.memory_space<semaphore_mem>>) src(%dma_wait3A_615 : memref<4x4096xf32, #tpu.memory_space<hbm>>) dst(%arg7 : memref<4x4096xf32, #tpu.memory_space<vmem>>)
    %add3A_616 = arith.constant 124 : i32
    %add3A_617 = arith.addi %mul3A_2, %add3A_616 : i32
    %dma_start3A_618 = arith.constant 0 : i32
    %dma_start3A_619 = tpu.memref_slice %arg5[%add3A_617, %dma_start3A_618] : memref<4096x4096xf32, #tpu.memory_space<hbm>> -> memref<4x4096xf32, #tpu.memory_space<hbm>>
    %dma_start3A_620 = arith.constant 0 : i32
    %dma_start3A_621 = tpu.memref_slice %arg5[%add3A_617, %dma_start3A_620] : memref<4096x4096xf32, #tpu.memory_space<hbm>> -> memref<4x4096xf32, #tpu.memory_space<hbm>>
    tpu.enqueue_dma source(%arg7 : memref<4x4096xf32, #tpu.memory_space<vmem>>) target(%dma_start3A_621 : memref<4x4096xf32, #tpu.memory_space<hbm>>) target_semaphore(%arg21 : memref<!tpu.dma_semaphore, #tpu.memory_space<semaphore_mem>>)
    %dma_wait3A_622 = arith.constant 0 : i32
    %dma_wait3A_623 = tpu.memref_slice %arg5[%add3A_607, %dma_wait3A_622] : memref<4096x4096xf32, #tpu.memory_space<hbm>> -> memref<4x4096xf32, #tpu.memory_space<hbm>>
    %dma_wait3A_624 = arith.constant 0 : i32
    %dma_wait3A_625 = tpu.memref_slice %arg5[%add3A_607, %dma_wait3A_624] : memref<4096x4096xf32, #tpu.memory_space<hbm>> -> memref<4x4096xf32, #tpu.memory_space<hbm>>
    tpu.wait_dma2 semaphore(%arg20 : memref<!tpu.dma_semaphore, #tpu.memory_space<semaphore_mem>>) src(%arg6 : memref<4x4096xf32, #tpu.memory_space<vmem>>) dst(%dma_wait3A_625 : memref<4x4096xf32, #tpu.memory_space<hbm>>)
    %dma_wait3A_626 = arith.constant 0 : i32
    %dma_wait3A_627 = tpu.memref_slice %arg5[%add3A_617, %dma_wait3A_626] : memref<4096x4096xf32, #tpu.memory_space<hbm>> -> memref<4x4096xf32, #tpu.memory_space<hbm>>
    %dma_wait3A_628 = arith.constant 0 : i32
    %dma_wait3A_629 = tpu.memref_slice %arg5[%add3A_617, %dma_wait3A_628] : memref<4096x4096xf32, #tpu.memory_space<hbm>> -> memref<4x4096xf32, #tpu.memory_space<hbm>>
    tpu.wait_dma2 semaphore(%arg21 : memref<!tpu.dma_semaphore, #tpu.memory_space<semaphore_mem>>) src(%arg7 : memref<4x4096xf32, #tpu.memory_space<vmem>>) dst(%dma_wait3A_629 : memref<4x4096xf32, #tpu.memory_space<hbm>>)
    %dma_wait3A_630 = arith.constant 0 : i32
    %dma_wait3A_631 = tpu.memref_slice %arg5[%add3A_537, %dma_wait3A_630] : memref<4096x4096xf32, #tpu.memory_space<hbm>> -> memref<4x4096xf32, #tpu.memory_space<hbm>>
    %dma_wait3A_632 = arith.constant 0 : i32
    %dma_wait3A_633 = tpu.memref_slice %arg5[%add3A_537, %dma_wait3A_632] : memref<4096x4096xf32, #tpu.memory_space<hbm>> -> memref<4x4096xf32, #tpu.memory_space<hbm>>
    tpu.wait_dma2 semaphore(%arg22 : memref<!tpu.dma_semaphore, #tpu.memory_space<semaphore_mem>>) src(%arg8 : memref<4x4096xf32, #tpu.memory_space<vmem>>) dst(%dma_wait3A_633 : memref<4x4096xf32, #tpu.memory_space<hbm>>)
    %dma_wait3A_634 = arith.constant 0 : i32
    %dma_wait3A_635 = tpu.memref_slice %arg5[%add3A_557, %dma_wait3A_634] : memref<4096x4096xf32, #tpu.memory_space<hbm>> -> memref<4x4096xf32, #tpu.memory_space<hbm>>
    %dma_wait3A_636 = arith.constant 0 : i32
    %dma_wait3A_637 = tpu.memref_slice %arg5[%add3A_557, %dma_wait3A_636] : memref<4096x4096xf32, #tpu.memory_space<hbm>> -> memref<4x4096xf32, #tpu.memory_space<hbm>>
    tpu.wait_dma2 semaphore(%arg23 : memref<!tpu.dma_semaphore, #tpu.memory_space<semaphore_mem>>) src(%arg9 : memref<4x4096xf32, #tpu.memory_space<vmem>>) dst(%dma_wait3A_637 : memref<4x4096xf32, #tpu.memory_space<hbm>>)
    %dma_wait3A_638 = arith.constant 0 : i32
    %dma_wait3A_639 = tpu.memref_slice %arg5[%add3A_577, %dma_wait3A_638] : memref<4096x4096xf32, #tpu.memory_space<hbm>> -> memref<4x4096xf32, #tpu.memory_space<hbm>>
    %dma_wait3A_640 = arith.constant 0 : i32
    %dma_wait3A_641 = tpu.memref_slice %arg5[%add3A_577, %dma_wait3A_640] : memref<4096x4096xf32, #tpu.memory_space<hbm>> -> memref<4x4096xf32, #tpu.memory_space<hbm>>
    tpu.wait_dma2 semaphore(%arg24 : memref<!tpu.dma_semaphore, #tpu.memory_space<semaphore_mem>>) src(%arg10 : memref<4x4096xf32, #tpu.memory_space<vmem>>) dst(%dma_wait3A_641 : memref<4x4096xf32, #tpu.memory_space<hbm>>)
    %dma_wait3A_642 = arith.constant 0 : i32
    %dma_wait3A_643 = tpu.memref_slice %arg5[%add3A_597, %dma_wait3A_642] : memref<4096x4096xf32, #tpu.memory_space<hbm>> -> memref<4x4096xf32, #tpu.memory_space<hbm>>
    %dma_wait3A_644 = arith.constant 0 : i32
    %dma_wait3A_645 = tpu.memref_slice %arg5[%add3A_597, %dma_wait3A_644] : memref<4096x4096xf32, #tpu.memory_space<hbm>> -> memref<4x4096xf32, #tpu.memory_space<hbm>>
    tpu.wait_dma2 semaphore(%arg25 : memref<!tpu.dma_semaphore, #tpu.memory_space<semaphore_mem>>) src(%arg11 : memref<4x4096xf32, #tpu.memory_space<vmem>>) dst(%dma_wait3A_645 : memref<4x4096xf32, #tpu.memory_space<hbm>>)
    %gt3A = arith.constant 0 : i32
    %gt3A_646 = arith.cmpi sgt, %and3A_7, %gt3A : i32
    %convert_element_type3A = arith.extui %gt3A_646 : i1 to i32
    %cond3A = arith.constant 0 : i32
    %cond3A_647 = arith.cmpi ne, %convert_element_type3A, %cond3A : i32
    scf.if %cond3A_647 {
      %run_scoped3A = arith.constant 0 : i32
      "tpu.region"() ({
        %run_scoped3A_668 = tpu.sem_alloc : memref<!tpu.dma_semaphore, #tpu.memory_space<semaphore_mem>>
        %dma_start3A_669 = arith.constant 0 : i32
        %dma_start3A_670 = tpu.memref_slice %arg13[%run_scoped3A, %dma_start3A_669] : memref<5x4xi32, #tpu.memory_space<vmem>> -> memref<1x4xi32, #tpu.memory_space<vmem>>
        %dma_start3A_671 = tpu.memref_squeeze %dma_start3A_670 : memref<1x4xi32, #tpu.memory_space<vmem>> -> memref<4xi32, #tpu.memory_space<vmem>>
        %dma_start3A_672 = arith.constant 0 : i32
        %dma_start3A_673 = arith.constant 0 : i32
        %dma_start3A_674 = tpu.memref_slice %arg5[%dma_start3A_672, %dma_start3A_673] : memref<4096x4096xf32, #tpu.memory_space<hbm>> -> memref<4096x4096xf32, #tpu.memory_space<hbm>>
        tpu.enqueue_indirect_dma source(%arg12 : memref<4x4096xf32, #tpu.memory_space<vmem>>) target(%dma_start3A_674 : memref<4096x4096xf32, #tpu.memory_space<hbm>>) offsets(%dma_start3A_671 : memref<4xi32, #tpu.memory_space<vmem>>) semaphore(%run_scoped3A_668 : memref<!tpu.dma_semaphore, #tpu.memory_space<semaphore_mem>>)
        %dma_wait3A_675 = arith.constant 0 : i32
        %dma_wait3A_676 = tpu.memref_slice %arg13[%run_scoped3A, %dma_wait3A_675] : memref<5x4xi32, #tpu.memory_space<vmem>> -> memref<1x4xi32, #tpu.memory_space<vmem>>
        %dma_wait3A_677 = tpu.memref_squeeze %dma_wait3A_676 : memref<1x4xi32, #tpu.memory_space<vmem>> -> memref<4xi32, #tpu.memory_space<vmem>>
        %dma_wait3A_678 = arith.constant 0 : i32
        %dma_wait3A_679 = arith.constant 0 : i32
        %dma_wait3A_680 = tpu.memref_slice %arg5[%dma_wait3A_678, %dma_wait3A_679] : memref<4096x4096xf32, #tpu.memory_space<hbm>> -> memref<4096x4096xf32, #tpu.memory_space<hbm>>
        tpu.wait_indirect_dma semaphore(%run_scoped3A_668 : memref<!tpu.dma_semaphore, #tpu.memory_space<semaphore_mem>>) src(%arg12 : memref<4x4096xf32, #tpu.memory_space<vmem>>) dst(%dma_wait3A_680 : memref<4096x4096xf32, #tpu.memory_space<hbm>>)
        tpu.yield
      }) : () -> ()
    } else {
    }
    %gt3A_648 = arith.constant 1 : i32
    %gt3A_649 = arith.cmpi sgt, %and3A_7, %gt3A_648 : i32
    %convert_element_type3A_650 = arith.extui %gt3A_649 : i1 to i32
    %cond3A_651 = arith.constant 0 : i32
    %cond3A_652 = arith.cmpi ne, %convert_element_type3A_650, %cond3A_651 : i32
    scf.if %cond3A_652 {
      %run_scoped3A = arith.constant 1 : i32
      "tpu.region"() ({
        %run_scoped3A_668 = tpu.sem_alloc : memref<!tpu.dma_semaphore, #tpu.memory_space<semaphore_mem>>
        %dma_start3A_669 = arith.constant 0 : i32
        %dma_start3A_670 = tpu.memref_slice %arg13[%run_scoped3A, %dma_start3A_669] : memref<5x4xi32, #tpu.memory_space<vmem>> -> memref<1x4xi32, #tpu.memory_space<vmem>>
        %dma_start3A_671 = tpu.memref_squeeze %dma_start3A_670 : memref<1x4xi32, #tpu.memory_space<vmem>> -> memref<4xi32, #tpu.memory_space<vmem>>
        %dma_start3A_672 = arith.constant 0 : i32
        %dma_start3A_673 = arith.constant 0 : i32
        %dma_start3A_674 = tpu.memref_slice %arg5[%dma_start3A_672, %dma_start3A_673] : memref<4096x4096xf32, #tpu.memory_space<hbm>> -> memref<4096x4096xf32, #tpu.memory_space<hbm>>
        tpu.enqueue_indirect_dma source(%arg12 : memref<4x4096xf32, #tpu.memory_space<vmem>>) target(%dma_start3A_674 : memref<4096x4096xf32, #tpu.memory_space<hbm>>) offsets(%dma_start3A_671 : memref<4xi32, #tpu.memory_space<vmem>>) semaphore(%run_scoped3A_668 : memref<!tpu.dma_semaphore, #tpu.memory_space<semaphore_mem>>)
        %dma_wait3A_675 = arith.constant 0 : i32
        %dma_wait3A_676 = tpu.memref_slice %arg13[%run_scoped3A, %dma_wait3A_675] : memref<5x4xi32, #tpu.memory_space<vmem>> -> memref<1x4xi32, #tpu.memory_space<vmem>>
        %dma_wait3A_677 = tpu.memref_squeeze %dma_wait3A_676 : memref<1x4xi32, #tpu.memory_space<vmem>> -> memref<4xi32, #tpu.memory_space<vmem>>
        %dma_wait3A_678 = arith.constant 0 : i32
        %dma_wait3A_679 = arith.constant 0 : i32
        %dma_wait3A_680 = tpu.memref_slice %arg5[%dma_wait3A_678, %dma_wait3A_679] : memref<4096x4096xf32, #tpu.memory_space<hbm>> -> memref<4096x4096xf32, #tpu.memory_space<hbm>>
        tpu.wait_indirect_dma semaphore(%run_scoped3A_668 : memref<!tpu.dma_semaphore, #tpu.memory_space<semaphore_mem>>) src(%arg12 : memref<4x4096xf32, #tpu.memory_space<vmem>>) dst(%dma_wait3A_680 : memref<4096x4096xf32, #tpu.memory_space<hbm>>)
        tpu.yield
      }) : () -> ()
    } else {
    }
    %gt3A_653 = arith.constant 2 : i32
    %gt3A_654 = arith.cmpi sgt, %and3A_7, %gt3A_653 : i32
    %convert_element_type3A_655 = arith.extui %gt3A_654 : i1 to i32
    %cond3A_656 = arith.constant 0 : i32
    %cond3A_657 = arith.cmpi ne, %convert_element_type3A_655, %cond3A_656 : i32
    scf.if %cond3A_657 {
      %run_scoped3A = arith.constant 2 : i32
      "tpu.region"() ({
        %run_scoped3A_668 = tpu.sem_alloc : memref<!tpu.dma_semaphore, #tpu.memory_space<semaphore_mem>>
        %dma_start3A_669 = arith.constant 0 : i32
        %dma_start3A_670 = tpu.memref_slice %arg13[%run_scoped3A, %dma_start3A_669] : memref<5x4xi32, #tpu.memory_space<vmem>> -> memref<1x4xi32, #tpu.memory_space<vmem>>
        %dma_start3A_671 = tpu.memref_squeeze %dma_start3A_670 : memref<1x4xi32, #tpu.memory_space<vmem>> -> memref<4xi32, #tpu.memory_space<vmem>>
        %dma_start3A_672 = arith.constant 0 : i32
        %dma_start3A_673 = arith.constant 0 : i32
        %dma_start3A_674 = tpu.memref_slice %arg5[%dma_start3A_672, %dma_start3A_673] : memref<4096x4096xf32, #tpu.memory_space<hbm>> -> memref<4096x4096xf32, #tpu.memory_space<hbm>>
        tpu.enqueue_indirect_dma source(%arg12 : memref<4x4096xf32, #tpu.memory_space<vmem>>) target(%dma_start3A_674 : memref<4096x4096xf32, #tpu.memory_space<hbm>>) offsets(%dma_start3A_671 : memref<4xi32, #tpu.memory_space<vmem>>) semaphore(%run_scoped3A_668 : memref<!tpu.dma_semaphore, #tpu.memory_space<semaphore_mem>>)
        %dma_wait3A_675 = arith.constant 0 : i32
        %dma_wait3A_676 = tpu.memref_slice %arg13[%run_scoped3A, %dma_wait3A_675] : memref<5x4xi32, #tpu.memory_space<vmem>> -> memref<1x4xi32, #tpu.memory_space<vmem>>
        %dma_wait3A_677 = tpu.memref_squeeze %dma_wait3A_676 : memref<1x4xi32, #tpu.memory_space<vmem>> -> memref<4xi32, #tpu.memory_space<vmem>>
        %dma_wait3A_678 = arith.constant 0 : i32
        %dma_wait3A_679 = arith.constant 0 : i32
        %dma_wait3A_680 = tpu.memref_slice %arg5[%dma_wait3A_678, %dma_wait3A_679] : memref<4096x4096xf32, #tpu.memory_space<hbm>> -> memref<4096x4096xf32, #tpu.memory_space<hbm>>
        tpu.wait_indirect_dma semaphore(%run_scoped3A_668 : memref<!tpu.dma_semaphore, #tpu.memory_space<semaphore_mem>>) src(%arg12 : memref<4x4096xf32, #tpu.memory_space<vmem>>) dst(%dma_wait3A_680 : memref<4096x4096xf32, #tpu.memory_space<hbm>>)
        tpu.yield
      }) : () -> ()
    } else {
    }
    %gt3A_658 = arith.constant 3 : i32
    %gt3A_659 = arith.cmpi sgt, %and3A_7, %gt3A_658 : i32
    %convert_element_type3A_660 = arith.extui %gt3A_659 : i1 to i32
    %cond3A_661 = arith.constant 0 : i32
    %cond3A_662 = arith.cmpi ne, %convert_element_type3A_660, %cond3A_661 : i32
    scf.if %cond3A_662 {
      %run_scoped3A = arith.constant 3 : i32
      "tpu.region"() ({
        %run_scoped3A_668 = tpu.sem_alloc : memref<!tpu.dma_semaphore, #tpu.memory_space<semaphore_mem>>
        %dma_start3A_669 = arith.constant 0 : i32
        %dma_start3A_670 = tpu.memref_slice %arg13[%run_scoped3A, %dma_start3A_669] : memref<5x4xi32, #tpu.memory_space<vmem>> -> memref<1x4xi32, #tpu.memory_space<vmem>>
        %dma_start3A_671 = tpu.memref_squeeze %dma_start3A_670 : memref<1x4xi32, #tpu.memory_space<vmem>> -> memref<4xi32, #tpu.memory_space<vmem>>
        %dma_start3A_672 = arith.constant 0 : i32
        %dma_start3A_673 = arith.constant 0 : i32
        %dma_start3A_674 = tpu.memref_slice %arg5[%dma_start3A_672, %dma_start3A_673] : memref<4096x4096xf32, #tpu.memory_space<hbm>> -> memref<4096x4096xf32, #tpu.memory_space<hbm>>
        tpu.enqueue_indirect_dma source(%arg12 : memref<4x4096xf32, #tpu.memory_space<vmem>>) target(%dma_start3A_674 : memref<4096x4096xf32, #tpu.memory_space<hbm>>) offsets(%dma_start3A_671 : memref<4xi32, #tpu.memory_space<vmem>>) semaphore(%run_scoped3A_668 : memref<!tpu.dma_semaphore, #tpu.memory_space<semaphore_mem>>)
        %dma_wait3A_675 = arith.constant 0 : i32
        %dma_wait3A_676 = tpu.memref_slice %arg13[%run_scoped3A, %dma_wait3A_675] : memref<5x4xi32, #tpu.memory_space<vmem>> -> memref<1x4xi32, #tpu.memory_space<vmem>>
        %dma_wait3A_677 = tpu.memref_squeeze %dma_wait3A_676 : memref<1x4xi32, #tpu.memory_space<vmem>> -> memref<4xi32, #tpu.memory_space<vmem>>
        %dma_wait3A_678 = arith.constant 0 : i32
        %dma_wait3A_679 = arith.constant 0 : i32
        %dma_wait3A_680 = tpu.memref_slice %arg5[%dma_wait3A_678, %dma_wait3A_679] : memref<4096x4096xf32, #tpu.memory_space<hbm>> -> memref<4096x4096xf32, #tpu.memory_space<hbm>>
        tpu.wait_indirect_dma semaphore(%run_scoped3A_668 : memref<!tpu.dma_semaphore, #tpu.memory_space<semaphore_mem>>) src(%arg12 : memref<4x4096xf32, #tpu.memory_space<vmem>>) dst(%dma_wait3A_680 : memref<4096x4096xf32, #tpu.memory_space<hbm>>)
        tpu.yield
      }) : () -> ()
    } else {
    }
    %gt3A_663 = arith.constant 4 : i32
    %gt3A_664 = arith.cmpi sgt, %and3A_7, %gt3A_663 : i32
    %convert_element_type3A_665 = arith.extui %gt3A_664 : i1 to i32
    %cond3A_666 = arith.constant 0 : i32
    %cond3A_667 = arith.cmpi ne, %convert_element_type3A_665, %cond3A_666 : i32
    scf.if %cond3A_667 {
      %run_scoped3A = arith.constant 4 : i32
      "tpu.region"() ({
        %run_scoped3A_668 = tpu.sem_alloc : memref<!tpu.dma_semaphore, #tpu.memory_space<semaphore_mem>>
        %dma_start3A_669 = arith.constant 0 : i32
        %dma_start3A_670 = tpu.memref_slice %arg13[%run_scoped3A, %dma_start3A_669] : memref<5x4xi32, #tpu.memory_space<vmem>> -> memref<1x4xi32, #tpu.memory_space<vmem>>
        %dma_start3A_671 = tpu.memref_squeeze %dma_start3A_670 : memref<1x4xi32, #tpu.memory_space<vmem>> -> memref<4xi32, #tpu.memory_space<vmem>>
        %dma_start3A_672 = arith.constant 0 : i32
        %dma_start3A_673 = arith.constant 0 : i32
        %dma_start3A_674 = tpu.memref_slice %arg5[%dma_start3A_672, %dma_start3A_673] : memref<4096x4096xf32, #tpu.memory_space<hbm>> -> memref<4096x4096xf32, #tpu.memory_space<hbm>>
        tpu.enqueue_indirect_dma source(%arg12 : memref<4x4096xf32, #tpu.memory_space<vmem>>) target(%dma_start3A_674 : memref<4096x4096xf32, #tpu.memory_space<hbm>>) offsets(%dma_start3A_671 : memref<4xi32, #tpu.memory_space<vmem>>) semaphore(%run_scoped3A_668 : memref<!tpu.dma_semaphore, #tpu.memory_space<semaphore_mem>>)
        %dma_wait3A_675 = arith.constant 0 : i32
        %dma_wait3A_676 = tpu.memref_slice %arg13[%run_scoped3A, %dma_wait3A_675] : memref<5x4xi32, #tpu.memory_space<vmem>> -> memref<1x4xi32, #tpu.memory_space<vmem>>
        %dma_wait3A_677 = tpu.memref_squeeze %dma_wait3A_676 : memref<1x4xi32, #tpu.memory_space<vmem>> -> memref<4xi32, #tpu.memory_space<vmem>>
        %dma_wait3A_678 = arith.constant 0 : i32
        %dma_wait3A_679 = arith.constant 0 : i32
        %dma_wait3A_680 = tpu.memref_slice %arg5[%dma_wait3A_678, %dma_wait3A_679] : memref<4096x4096xf32, #tpu.memory_space<hbm>> -> memref<4096x4096xf32, #tpu.memory_space<hbm>>
        tpu.wait_indirect_dma semaphore(%run_scoped3A_668 : memref<!tpu.dma_semaphore, #tpu.memory_space<semaphore_mem>>) src(%arg12 : memref<4x4096xf32, #tpu.memory_space<vmem>>) dst(%dma_wait3A_680 : memref<4096x4096xf32, #tpu.memory_space<hbm>>)
        tpu.yield
      }) : () -> ()
    } else {
    }
    return
  }
}

</mosaic_0001>

<sc_bundles>
// kernel: kernel.3.cloned.1.call-start
scs
__scs_entry_jumppad:
0x0: {  	(pc) =	sbr.rel $0x88, $3  }
0x1: {  	(tag) =	ssettag $0x0;
	lr =	simm.s32 $0x1  }
0x2: {  	[smem:$0x3FA0] =	sst lr;
	_ =	strace $0xD0000000  }
0x3: {  	_ = 	snop  }
0x4: {  	_ = 	snop  }
0x5: {  	_ = 	snop  }
0x6: {  	_ = 	snop  }
0x7: {  	_ = 	snop  }
__scs_overlays_trampoline_lowered:
0x8: {  	[smem:$0x3FAF] =	sst s0  }
0x9: {  	[smem:$0x3FB0] =	sst s1  }
0xa: {  	[smem:$0x3FB1] =	sst s2  }
0xb: {  	[smem:$0x3FB2] =	sst s3  }
0xc: {  	[smem:$0x3FB3] =	sst s4  }
0xd: {  	[smem:$0x3FB4] =	sst s5  }
0xe: {  	[smem:$0x3FB5] =	sst s6  }
0xf: {  	[smem:$0x3FB6] =	sst s7  }
0x10: {  	[smem:$0x3FB7] =	sst s8  }
0x11: {  	[smem:$0x3FB8] =	sst s9;
	s0 =	simm.s32 @!p0 $0x0  }
0x12: {  	s1 =	sld [smem:$0x3F9E];
	s0 =	simm.s32 @p0 $0x1  }
0x13: {  	[smem:$0x3FB9] =	sst s0;
	s0 =	simm.s32 @!p1 $0x0  }
0x14: {  	s2 =	sld [smem:$0x3F9D];
	s0 =	simm.s32 @p1 $0x1  }
0x15: {  	[smem:$0x3FBA] =	sst s0;
	s0 =	simm.s32 @!p2 $0x0  }
0x16: {  	s3 =	sld [smem:$0x3FDB];
	s0 =	simm.s32 @p2 $0x1  }
0x17: {  	s4 =	simm.s32 $0x1BF5;
	[smem:$0x3FBC] =	sst s0  }
0x18: {  	s0 =	sld [smem:$0x3F9F];
	_ =	swait.ge [sflag:s4], $0x0  }
0x19: {  	s7 =	sld [smem:$0x3FA0]  }
0x1a: {  	s8 =	sadd.s32 $0xFFFFE003, lr  }
0x1b: {  	s9 =	sadd.s32 $0xFFFFFEF7, lr;
	s5 =	simm.s32 $0xFFFFFFFF;
	p2 =	slt.u32 s8, $0xFFFFF086  }
0x1c: {  	p1 =	slt.u32 s9, $0xF7A;
	s5 =	simm.s32 @!p2 $0x0  }
0x1d: {  	s5 =	simm.s32 @p1 $0x1;
	p0 =	seq.s32 s7, s2  }
0x1e: {  	s7 =	smul.u32 @!p0 $0xF7A, s2;
	p2 =	seq.s32 @!p0 s5, $0x0  }
0x1f: {  	s9 =	smul.u32 $0xF7A, s1;
	s8 =	simm.s32 @!p0 $0x1BF5;
	p2 =	por !p2, p0  }
0x20: {  	[sflag:s8] =	ssyncset.s32 @!p0 $0xFFFFF086;
	s6 =	sadd.s32 @!p0 s3, s7;
	s7 =	simm.s32 @!p0 $0x108  }
0x21: {  	s3 =	sadd.s32 s3, s9;
	s6 =	sadd.s32 @!p0 $0x88, s6;
	s7 =	simm.s32 @p2 $0x1082  }
0x22: {  	[simem:s7], [sflag:s8] =	dma.local @!p0 [hbm:s6], $0xF7A  }
0x23: {  	s9 =	sor.u32 $0xD0000000, s2;
	s6 =	simm.s32 $0x108;
	_ =	swait.ge @!p0 [sflag:s8], $0x0  }
0x24: {  	s3 =	sadd.s32 $0x88, s3;
	s6 =	simm.s32 @!p1 $0x1082;
	[sflag:s4] =	ssyncset.s32 $0xFFFFF086  }
0x25: {  	[simem:s6], [sflag:s4] =	dma.local [hbm:s3], $0xF7A  }
0x26: {  	[smem:$0x3FA0] =	sst s1;
	(tag) =	ssettag s2;
	_ =	strace s9  }
0x27: {  	s1 =	sld [smem:$0x3FB0]  }
0x28: {  	s2 =	sld [smem:$0x3FB1]  }
0x29: {  	s4 =	sld [smem:$0x3FB3]  }
0x2a: {  	p0 =	seq.s32 s5, $0x0;
	s5 =	sld [smem:$0x3FB4]  }
0x2b: {  	s6 =	sld [smem:$0x3FB5]  }
0x2c: {  	s7 =	sld [smem:$0x3FB6]  }
0x2d: {  	s3 =	simm.s32 $0x108;
	s8 =	sld [smem:$0x3FB7]  }
0x2e: {  	s3 =	simm.s32 @!p0 $0x1082;
	s9 =	sld [smem:$0x3FB8]  }
0x2f: {  	lr =	sadd.s32 s0, s3;
	s0 =	sld [smem:$0x3FAF]  }
0x30: {  	s3 =	sld [smem:$0x3FB2]  }
0x31: {  	[smem:$0x3FBB] =	sst s10  }
0x32: {  	s10 =	sld [smem:$0x3FB9];
	_ =	sdelay $0x3  }
0x33: {  	p0 =	seq.s32 s10, $0x1;
	s10 =	sld [smem:$0x3FBB];
	_ =	sdelay $0x3  }
0x34: {  	[smem:$0x3FBB] =	sst s10  }
0x35: {  	s10 =	sld [smem:$0x3FBA];
	_ =	sdelay $0x3  }
0x36: {  	p1 =	seq.s32 s10, $0x1;
	s10 =	sld [smem:$0x3FBB];
	_ =	sdelay $0x3  }
0x37: {  	[smem:$0x3FBB] =	sst s10  }
0x38: {  	s10 =	sld [smem:$0x3FBC]  }
0x39: {  	_ = 	snop;
	(pc) =	sbr.ind lr, $3  }
0x3a: {  	_ = 	snop  }
0x3b: {  	_ = 	snop  }
0x3c: {  	p2 =	seq.s32 s10, $0x1;
	s10 =	sld [smem:$0x3FBB]  }
0x3d: {  	_ =	shalt  }
0x3e: {  	_ =	shalt  }
0x3f: {  	_ =	shalt  }
0x40: {  	_ =	shalt  }
0x41: {  	_ =	shalt  }
0x42: {  	_ =	shalt  }
0x43: {  	_ =	shalt  }
0x44: {  	_ =	shalt  }
0x45: {  	_ =	shalt  }
0x46: {  	_ =	shalt  }
0x47: {  	_ =	shalt  }
0x48: {  	_ =	shalt  }
0x49: {  	_ =	shalt  }
0x4a: {  	_ =	shalt  }
0x4b: {  	_ =	shalt  }
0x4c: {  	_ =	shalt  }
0x4d: {  	_ =	shalt  }
0x4e: {  	_ =	shalt  }
0x4f: {  	_ =	shalt  }
0x50: {  	_ =	shalt  }
0x51: {  	_ =	shalt  }
0x52: {  	_ =	shalt  }
0x53: {  	_ =	shalt  }
0x54: {  	_ =	shalt  }
0x55: {  	_ =	shalt  }
0x56: {  	_ =	shalt  }
0x57: {  	_ =	shalt  }
0x58: {  	_ =	shalt  }
0x59: {  	_ =	shalt  }
0x5a: {  	_ =	shalt  }
0x5b: {  	_ =	shalt  }
0x5c: {  	_ =	shalt  }
0x5d: {  	_ =	shalt  }
0x5e: {  	_ =	shalt  }
0x5f: {  	_ =	shalt  }
0x60: {  	_ =	shalt  }
0x61: {  	_ =	shalt  }
0x62: {  	_ =	shalt  }
0x63: {  	_ =	shalt  }
0x64: {  	_ =	shalt  }
0x65: {  	_ =	shalt  }
0x66: {  	_ =	shalt  }
0x67: {  	_ =	shalt  }
0x68: {  	_ =	shalt  }
0x69: {  	_ =	shalt  }
0x6a: {  	_ =	shalt  }
0x6b: {  	_ =	shalt  }
0x6c: {  	_ =	shalt  }
0x6d: {  	_ =	shalt  }
0x6e: {  	_ =	shalt  }
0x6f: {  	_ =	shalt  }
0x70: {  	_ =	shalt  }
0x71: {  	_ =	shalt  }
0x72: {  	_ =	shalt  }
0x73: {  	_ =	shalt  }
0x74: {  	_ =	shalt  }
0x75: {  	_ =	shalt  }
0x76: {  	_ =	shalt  }
0x77: {  	_ =	shalt  }
0x78: {  	_ =	shalt  }
0x79: {  	_ =	shalt  }
0x7a: {  	_ =	shalt  }
0x7b: {  	_ =	shalt  }
0x7c: {  	_ =	shalt  }
0x7d: {  	_ =	shalt  }
0x7e: {  	_ =	shalt  }
0x7f: {  	_ =	shalt  }
0x80: {  	_ =	shalt  }
0x81: {  	_ =	shalt  }
0x82: {  	_ =	shalt  }
0x83: {  	_ =	shalt  }
0x84: {  	_ =	shalt  }
0x85: {  	_ =	shalt  }
0x86: {  	_ =	shalt  }
0x87: {  	_ =	shalt  }
.Lfunc_end0:
.L_simem_size_0:
called_computation_lowered:
.L_overlay_start_0:
0x88: {  	s2 =	sld [smem:$0x3FD9]  }
0x89: {  	s3 =	sld [smem:$0x3FFE];
	_ =	sdelay $0x1  }
0x8a: {  	s1 =	srdreg.scid  }
0x8b: {  	s0 =	sand.u32 $0x1, s1  }
0x8c: {  	s17 =	sshll.u32 s0, $0xA;
	s2 =	sadd.s32 s3, s2  }
0x8d: {  	s2 =	sadd.s32 s2, s17  }
0x8e: {  	[smem:$0x3FC7] =	sst s2  }
0x8f: {  	_ = 	snop  }
0x90: {  	s2 =	sld [smem:$0x3FC9]  }
0x91: {  	s18 =	sld [smem:$0x3FD0];
	(tm) =	ssettm $0x1  }
0x92: {  	s4 =	sld [smem:$0x3FFB];
	_ =	sdelay $0x3  }
0x93: {  	_ =	strace s4  }
0x94: {  	s4 =	sld [smem:$0x3FFC];
	_ =	sdelay $0x3  }
0x95: {  	_ =	strace s4  }
0x96: {  	s4 =	sld [smem:$0x3FFD];
	_ =	sdelay $0x3  }
0x97: {  	_ =	strace s4  }
0x98: {  	_ =	strace $0x8FFFFFFF  }
0x99: {  	s19 =	sld [smem:$0x3FDB];
	_ =	sdelay $0x1  }
0x9a: {  	s5 =	simm.s32 $_scs_section_size  }
0x9b: {  	s6 =	simm.s32 $_size__tile_overlayer_lowered;
	s7 =	simm.s32 $_tile_overlayer_lowered  }
0x9c: {  	s22 =	simm.s32 $0x1BFF;
	s21 =	sshll.u32 s7, $0x1;
	s4 =	sadd.s32 s5, s19  }
0x9d: {  	s8 =	simm.s32 $0x0;
	s20 =	sshll.u32 s6, $0x1;
	s6 =	sadd.s32 s21, s4  }
0x9e: {  	[timem:s8], [sflag:s22] =	dma.local [hbm:s6], s20  }
0x9f: {  	_ =	swait.ge [sflag:s22], s20  }
0xa0: {  	s5 =	ssub.s32 $0x0, s20;
	[sflag:s22] =	ssyncset.done $0x0  }
0xa1: {  	[sflag:s22] =	ssyncadd.s32 s5;
	_ =	sdelay $0x1  }
0xa2: {  	s23 =	simm.s32 $0x1B8B  }
0xa3: {  	_ =	swait.ge [sflag:s23], $0x1  }
0xa4: {  	[sflag:s23] =	ssyncset.done $0x0  }
0xa5: {  	s25 =	simm.s32 $0x1B8E;
	s24 =	sld [smem:$0x3FFE];
	[sflag:s23] =	ssyncadd.s32 $0xFFFFFFFF  }
0xa6: {  	s26 =	simm.s32 $execute0_lowered;
	[smem:$0x3FD2] =	sst s25  }
0xa7: {  	s6 =	sshll.u32 s26, $0x1;
	_ =	strace $0x80000046;
	[dreg:$0x1] =	wrdreg $0xFFFFFFFF  }
0xa8: {  	s28 =	simm.s32 $_size_execute0_lowered;
	s4 =	sadd.s32 s4, s6;
	[dreg:$0x0] =	wrdreg $0x0  }
0xa9: {  	s6 =	sshll.u32 s28, $0x1;
	[dreg:$0x2] =	wrdreg s4  }
0xaa: {  	[dreg:$0x3] =	wrdreg s6  }
0xab: {  	[dreg:$0x4] =	wrdreg $0xC0  }
0xac: {  	_ =	task [dreg:s8], $0x5FFFF  }
0xad: {  	[dreg:$0x1] =	wrdreg $0xFFFFFFFF  }
0xae: {  	[dreg:$0x0] =	wrdreg $0x60  }
0xaf: {  	[dreg:$0x2] =	wrdreg s2  }
0xb0: {  	[dreg:$0x3] =	wrdreg s24  }
0xb1: {  	[dreg:$0x4] =	wrdreg s18  }
0xb2: {  	[dreg:$0x5] =	wrdreg $0x9  }
0xb3: {  	_ =	task.clear_ibuf [dreg:s8], $0x6FFFF;
	_ =	strace $0x90000046  }
0xb4: {  	s29 =	simm.s32 $0x9;
	_ =	strace $0x80000048  }
0xb5: {  	_ =	swait.ge [sflag:s29], $0x1  }
0xb6: {  	[sflag:s29] =	ssyncadd.s32 $0xFFFFFFFF  }
0xb7: {  	_ =	strace $0x90000048  }
0xb8: {  	_ =	sfence  }
0xb9: {  	s30 =	sld [smem:$0x0];
	_ =	sdelay $0x2  }
0xba: {  	s31 =	sshll.u32 s1, $0xD;
	s1 =	sshrl.u32 s1, $0x2  }
0xbb: {  	s3 =	sand.u32 $0x4000, s31;
	s1 =	sadd.s32 s1, s30  }
0xbc: {  	s0 =	sor.u32 s3, s0;
	s1 =	sshll.u32 s1, $0x11  }
0xbd: {  	s0 =	sor.u32 s1, s0  }
0xbe: {  	s0 =	sadd.s32 $0x8F2B, s0  }
0xbf: {  	[sflag:s0] =	ssyncadd.remote.s32 $0x1  }
0xc0: {  	_ =	sfence.sel $0xFFFF  }
0xc1: {  	[dreg:$0x0] =	wrdreg $0xFFFFFFFF;
	(pc) =	sbr.abs _section_cstart, $3  }
0xc2: {  	[dreg:$0x1] =	wrdreg $0xFFFFFFFF  }
0xc3: {  	_ =	task.clear_ibuf [dreg:s8], $0x2FFFF;
	_ =	strace $0x9FFFFFFF  }
0xc4: {  	(tm) =	ssettm $0x7FFFFFFF  }
0xc5: {  	_ =	shalt  }
tec
execute0_lowered:
.L_overlay_start_1:
0x0: {  	(tag) =	ssettag $0x1  }
0x1: {  	s0 =	rddreg [dreg:$0x0]  }
0x2: {  	s1 =	rddreg [dreg:$0x1];
	s3 =	srdreg.scid  }
0x3: {  	s2 =	stileid.u32;
	s10 =	rddreg [dreg:$0x2]  }
0x4: {  	s4 =	sand.u32 $0x1, s3;
	s5 =	sshll.u32 s2, $0x1;
	s3 =	simm.s32 $0x0  }
0x5: {  	s5 =	sor.u32 s4, s5;
	[smem:$0x7FF] =	sst s3  }
0x6: {  	s4 =	ssub.s32 $0x2, s4;
	_ =	strace $0x80000047;
	s7 =	sshll.u32 s5, $0x7  }
0x7: {  	s12 =	sshrl.u32 s4, $0x1;
	s7 =	sadd.s32 s7, s1;
	s1 =	sadd.s32 $0x1400, s1  }
0x8: {  	[dreg:$0x4] =	wrdreg s1;
	s1 =	ssub.s32 s4, s12;
	s4 =	sshll.u32 s5, $0x10  }
0x9: {  	s6 =	sand.u32 $0x7, s5;
	s13 =	sadd.s32 $0x400, s7;
	s5 =	sor.u32 $0x40, s4  }
0xa: {  	[dreg:$0x5] =	wrdreg s13;
	s14 =	sor.u32 $0x1000, s4;
	s15 =	sadd.s32 s0, s5  }
0xb: {  	s17 =	sor.u32 $0x1040, s4;
	s16 =	sadd.s32 s0, s14;
	[dreg:$0x6] =	wrdreg s15  }
0xc: {  	s18 =	sadd.s32 s0, s17;
	[dreg:$0x7] =	wrdreg s16  }
0xd: {  	s20 =	sor.u32 $0x2000, s4;
	s19 =	sadd.s32 s10, s5;
	[dreg:$0x8] =	wrdreg s18  }
0xe: {  	s8 =	simm.s32 $0x91D8DA;
	s21 =	sadd.s32 s0, s20;
	[dreg:$0x9] =	wrdreg s19  }
0xf: {  	s23 =	sor.u32 $0x2040, s4;
	s22 =	sadd.s32 s10, s14;
	[dreg:$0xa] =	wrdreg s21  }
0x10: {  	s6 =	smul.u32 $0x3, s6;
	s24 =	sadd.s32 s0, s23;
	[dreg:$0xb] =	wrdreg s22  }
0x11: {  	s9 =	sor.u32 $0x3000, s4;
	s25 =	sadd.s32 s10, s17;
	[dreg:$0xc] =	wrdreg s24  }
0x12: {  	s6 =	sshrl.u32 s8, s6;
	s26 =	sadd.s32 s0, s9;
	[dreg:$0xd] =	wrdreg s25  }
0x13: {  	s11 =	sor.u32 $0x3040, s4;
	s8 =	sadd.s32 s10, s20;
	[dreg:$0xe] =	wrdreg s26  }
0x14: {  	s12 =	sadd.s32 s0, s11;
	[dreg:$0xf] =	wrdreg s8  }
0x15: {  	s13 =	sor.u32 $0x4000, s4;
	s14 =	sadd.s32 s10, s23;
	[dreg:$0x10] =	wrdreg s12  }
0x16: {  	s28 =	simm.s32 $0x2;
	[dreg:$0x11] =	wrdreg s14;
	s15 =	sadd.s32 s0, s13  }
0x17: {  	s29 =	simm.s32 $0x10000;
	s16 =	sadd.s32 s10, s9;
	[dreg:$0x12] =	wrdreg s15  }
0x18: {  	s30 =	simm.s32 $0x3;
	s18 =	sadd.s32 s10, s11;
	[dreg:$0x13] =	wrdreg s16  }
0x19: {  	s17 =	sor.u32 $0x4040, s4;
	s19 =	sadd.s32 s10, s13;
	[dreg:$0x14] =	wrdreg s18  }
0x1a: {  	s31 =	simm.s32 $0x14000;
	s20 =	sadd.s32 s0, s17;
	[dreg:$0x15] =	wrdreg s19  }
0x1b: {  	s21 =	sadd.s32 s10, s17;
	s22 =	sor.u32 $0x5000, s4;
	[dreg:$0x16] =	wrdreg s20  }
0x1c: {  	s6 =	sand.u32 $0x7, s6;
	[dreg:$0x17] =	wrdreg s21;
	s23 =	sadd.s32 s0, s22  }
0x1d: {  	s25 =	sor.u32 $0x5040, s4;
	s24 =	sadd.s32 s10, s22;
	[dreg:$0x18] =	wrdreg s23  }
0x1e: {  	p0 =	seq.s32 s6, $0x0;
	s26 =	sadd.s32 s0, s25;
	[dreg:$0x19] =	wrdreg s24  }
0x1f: {  	s9 =	sor.u32 $0x6040, s4;
	s5 =	sadd.s32 s10, s25;
	[dreg:$0x1a] =	wrdreg s26  }
0x20: {  	p3 =	slt.u32 s6, $0x5;
	s11 =	sadd.s32 s0, s9;
	[dreg:$0x1b] =	wrdreg s5  }
0x21: {  	s13 =	sor.u32 $0x7000, s4;
	s12 =	sadd.s32 s10, s9;
	[dreg:$0x1e] =	wrdreg s11  }
0x22: {  	p1 =	seq.s32 @!p0 s6, $0x1;
	s14 =	sadd.s32 s0, s13;
	[dreg:$0x1f] =	wrdreg s12  }
0x23: {  	s15 =	sadd.s32 s10, s13;
	s16 =	sor.u32 $0x7040, s4;
	[smem:$0x7D8] =	sst s14  }
0x24: {  	s19 =	sor.u32 $0x8000, s4;
	[smem:$0x7D9] =	sst s15;
	s17 =	sadd.s32 s0, s16  }
0x25: {  	s22 =	sor.u32 $0x8040, s4;
	s18 =	sadd.s32 s10, s16;
	[smem:$0x7DA] =	sst s17  }
0x26: {  	s25 =	sor.u32 $0x9000, s4;
	s20 =	sadd.s32 s0, s19;
	[smem:$0x7DB] =	sst s18  }
0x27: {  	p1 =	por p0, p1;
	s21 =	sadd.s32 s10, s19;
	[smem:$0x7DC] =	sst s20  }
0x28: {  	s23 =	sadd.s32 s0, s22;
	s24 =	sadd.s32 s10, s22;
	[smem:$0x7DD] =	sst s21  }
0x29: {  	s26 =	sadd.s32 s0, s25;
	s11 =	sor.u32 $0xA000, s4;
	[smem:$0x7DE] =	sst s23  }
0x2a: {  	s14 =	sor.u32 $0xA040, s4;
	s5 =	simm.s32 $0x8;
	[smem:$0x7DF] =	sst s24  }
0x2b: {  	p2 =	slt.u32 @!p1 s6, $0x3;
	[smem:$0x7E0] =	sst s26;
	s12 =	sadd.s32 s0, s11  }
0x2c: {  	s13 =	sadd.s32 s10, s11;
	s15 =	sadd.s32 s0, s14;
	[smem:$0x7E4] =	sst s12  }
0x2d: {  	s16 =	sadd.s32 s10, s14;
	s17 =	sor.u32 $0xB000, s4;
	[smem:$0x7E5] =	sst s13  }
0x2e: {  	s20 =	sor.u32 $0xB040, s4;
	s23 =	sor.u32 $0xC000, s4;
	[smem:$0x7E6] =	sst s15  }
0x2f: {  	s26 =	sor.u32 $0xC040, s4;
	[smem:$0x7E7] =	sst s16;
	s18 =	sadd.s32 s0, s17  }
0x30: {  	p2 =	por p1, p2;
	s19 =	sadd.s32 s10, s17;
	[smem:$0x7E8] =	sst s18  }
0x31: {  	s21 =	sadd.s32 s0, s20;
	s22 =	sadd.s32 s10, s20;
	[smem:$0x7E9] =	sst s19  }
0x32: {  	s24 =	sadd.s32 s0, s23;
	s12 =	sor.u32 $0xD040, s4;
	[smem:$0x7EA] =	sst s21  }
0x33: {  	s15 =	sor.u32 $0xE000, s4;
	s20 =	sor.u32 $0xE040, s4;
	[smem:$0x7EB] =	sst s22  }
0x34: {  	p4 =	seq.s32 @!p2 s6, $0x3;
	s6 =	sor.u32 $0x6000, s4;
	[smem:$0x7EC] =	sst s24  }
0x35: {  	s13 =	sadd.s32 s0, s12;
	s14 =	sadd.s32 s10, s12;
	s16 =	sadd.s32 s0, s15  }
0x36: {  	s17 =	sadd.s32 s10, s15;
	s18 =	sadd.s32 s0, s4;
	[smem:$0x7F2] =	sst s13  }
0x37: {  	s19 =	sadd.s32 s10, s4;
	s21 =	sor.u32 $0xF000, s4;
	[smem:$0x7F3] =	sst s14  }
0x38: {  	s22 =	sadd.s32 s0, s20;
	s24 =	sadd.s32 s10, s20;
	[smem:$0x7F4] =	sst s16  }
0x39: {  	s12 =	smax.u32 s1, $0x1;
	s15 =	sadd.s32 $0x600, s10;
	[smem:$0x7F5] =	sst s17  }
0x3a: {  	s1 =	simm.s32 $0x4;
	s7 =	sadd.s32 s0, s6;
	[smem:$0x7F6] =	sst s18  }
0x3b: {  	s8 =	sadd.s32 s10, s6;
	s6 =	sadd.s32 s10, s25;
	[smem:$0x7F7] =	sst s19  }
0x3c: {  	s25 =	sadd.s32 s10, s23;
	[smem:$0x7F8] =	sst s22;
	s23 =	sadd.s32 s0, s21  }
0x3d: {  	[smem:$0x7FB] =	sst s24;
	p4 =	por p2, p4;
	s13 =	sadd.s32 $0x200, s10  }
0x3e: {  	s14 =	sadd.s32 $0x400, s10;
	s16 =	sadd.s32 $0x800, s10;
	[dreg:$0x1c] =	wrdreg s7  }
0x3f: {  	s17 =	sadd.s32 $0xA00, s10;
	s18 =	sadd.s32 $0xC00, s10;
	[dreg:$0x1d] =	wrdreg s8  }
0x40: {  	s19 =	sadd.s32 $0xE00, s10;
	s22 =	simm.s32 $0x400;
	[smem:$0x7E1] =	sst s6  }
0x41: {  	s24 =	simm.s32 $0x8000;
	s7 =	sor.u32 $0x9040, s4;
	[smem:$0x7ED] =	sst s25  }
0x42: {  	s6 =	sadd.s32 s0, s26;
	[smem:$0x7F9] =	sst s23;
	s25 =	sadd.s32 s10, s21  }
0x43: {  	s21 =	simm.s32 $0x200;
	s23 =	simm.s32 $0x4000;
	[smem:$0x7EE] =	sst s6  }
0x44: {  	s8 =	sadd.s32 s0, s7;
	s9 =	sadd.s32 s10, s7;
	[smem:$0x7FC] =	sst s25  }
0x45: {  	s7 =	sadd.s32 s10, s26;
	s25 =	simm.s32 $0x1;
	[smem:$0x7E2] =	sst s8  }
0x46: {  	s6 =	simm.s32 $0x6;
	[smem:$0x7E3] =	sst s9;
	s8 =	sor.u32 $0xD000, s4  }
0x47: {  	[smem:$0x7EF] =	sst s7;
	s4 =	sor.u32 $0xF040, s4;
	s9 =	sadd.s32 s0, s8  }
.Ltmp0:
0x48: {  	s11 =	sadd.s32 s10, s8;
	[smem:$0x7F0] =	sst s9;
	(pc) =	sbr.rel .LBB2_1-.Ltmp0, $4  }
0x49: {  	v1 =	vlaneseq.u32;
	s7 =	simm.s32 $0x9;
	s0 =	sadd.s32 s0, s4;
	[smem:$0x7F1] =	sst s11  }
0x4a: {  	v0 =	vand.u32 $0x3, v1;
	v1 =	vshrl.u32 v1, $0x2;
	s26 =	sadd.s32 s10, s4;
	s4 =	simm.s32 $0x5;
	[smem:$0x7FA] =	sst s0  }
0x4b: {  	vm3 =	vmmov $0xffff;
	v1 =	vmul.u32 $0x8, v1;
	vm0 =	vmmov @!p0 $0xffff;
	s8 =	simm.s32 $0xA;
	s10 =	simm.s32 $0xC;
	[smem:$0x7FD] =	sst s26  }
0x4c: {  	vm4 =	vmmov @!p3 $0xffff;
	vm1 =	vmmov @!p1 $0xffff;
	vm2 =	vmmov @!p2 $0xffff;
	s26 =	simm.s32 $0xC000;
	s0 =	simm.s32 $0x7;
	s9 =	simm.s32 $0xB  }
.LBB2_3:
0x4d: {  	s12 =	sadd.s32 $0xFFFFFFFF, s12  }
0x4e: {  	p5 =	sne.s32 s12, $0x0  }
.Ltmp1:
0x4f: {  	_ = 	snop;
	(pc) =	sbr.rel @!p5 .LBB2_4-.Ltmp1, $1  }
0x50: {  	_ =	sdelay $0x3  }
.LBB2_1:
0x51: {  	s2 =	rddreg [dreg:$0x5];
	s11 =	simm.s32 $0x1C000  }
0x52: {  	[tilespmem:s11], [sflag:$0xD] =	stream.linear.gather [hbm4b:s2+s3], $0x280, $0x38;
	[tilespmem:$0x1C400] =	vst v63  }
0x53: {  	s11 =	simm.s32 $0xD  }
0x54: {  	_ =	swait.ge [sflag:s11], $0x280  }
0x55: {  	[sflag:s11] =	ssyncset.done $0x0  }
0x56: {  	s20 =	simm.s32 $0x18000;
	s2 =	rddreg [dreg:$0x4];
	[sflag:s11] =	ssyncadd.s32 $0xFFFFFD80  }
0x57: {  	[tilespmem:s20], [sflag:$0xD] =	stream.linear.gather [hbm4b:s2+s3], $0x4000, $0x38;
	[tilespmem:$0x1C400] =	vst v63  }
0x58: {  	_ =	swait.ge [sflag:s11], $0x4000  }
0x59: {  	[sflag:s11] =	ssyncset.done $0x0  }
0x5a: {  	[sflag:s11] =	ssyncadd.s32 $0xFFFFC000;
	s11 =	sld [smem:$0x7F6];
	_ =	sdelay $0x2  }
0x5b: {  	[tilespmem:s3], [sflag:$0x1] =	stream.strided.gather [hbm4b:s11+s21], $0x4000, s22, s21, $0x38;
	[tilespmem:$0x1C400] =	vst v63  }
0x5c: {  	s20 =	rddreg [dreg:$0x6]  }
0x5d: {  	[tilespmem:s23], [sflag:$0x2] =	stream.strided.gather [hbm4b:s20+s21], $0x4000, s22, s21, $0x38;
	[tilespmem:$0x1C400] =	vst v63  }
0x5e: {  	s11 =	rddreg [dreg:$0x7]  }
0x5f: {  	[tilespmem:s24], [sflag:$0x3] =	stream.strided.gather [hbm4b:s11+s21], $0x4000, s22, s21, $0x38;
	[tilespmem:$0x1C400] =	vst v63  }
0x60: {  	_ =	swait.ge [sflag:s25], $0x4000  }
0x61: {  	s20 =	sld [smem:$0x7F7]  }
0x62: {  	[sflag:s25] =	ssyncset.done $0x0  }
0x63: {  	[sflag:s25] =	ssyncadd.s32 $0xFFFFC000  }
0x64: {  	[hbm4b:s20+s21] =	stream.strided.scatter [tilespmem:s3], [sflag:$0x7], $0x4000, s22, s21, $0x38;
	[tilespmem:$0x1C400] =	vst v63  }
0x65: {  	s11 =	rddreg [dreg:$0x8]  }
0x66: {  	[tilespmem:s26], [sflag:$0x4] =	stream.strided.gather [hbm4b:s11+s21], $0x4000, s22, s21, $0x38;
	[tilespmem:$0x1C400] =	vst v63  }
0x67: {  	_ =	swait.ge [sflag:s28], $0x4000  }
0x68: {  	[sflag:s28] =	ssyncset.done $0x0  }
0x69: {  	s20 =	rddreg [dreg:$0x9];
	[sflag:s28] =	ssyncadd.s32 $0xFFFFC000  }
0x6a: {  	[hbm4b:s20+s21] =	stream.strided.scatter [tilespmem:s23], [sflag:$0x8], $0x4000, s22, s21, $0x38;
	[tilespmem:$0x1C400] =	vst v63  }
0x6b: {  	s11 =	rddreg [dreg:$0xa]  }
0x6c: {  	[tilespmem:s29], [sflag:$0x5] =	stream.strided.gather [hbm4b:s11+s21], $0x4000, s22, s21, $0x38;
	[tilespmem:$0x1C400] =	vst v63  }
0x6d: {  	_ =	swait.ge [sflag:s30], $0x4000  }
0x6e: {  	[sflag:s30] =	ssyncset.done $0x0  }
0x6f: {  	s20 =	rddreg [dreg:$0xb];
	[sflag:s30] =	ssyncadd.s32 $0xFFFFC000  }
0x70: {  	[hbm4b:s20+s21] =	stream.strided.scatter [tilespmem:s24], [sflag:$0x9], $0x4000, s22, s21, $0x38;
	[tilespmem:$0x1C400] =	vst v63  }
0x71: {  	s11 =	rddreg [dreg:$0xc]  }
0x72: {  	[tilespmem:s31], [sflag:$0x6] =	stream.strided.gather [hbm4b:s11+s21], $0x4000, s22, s21, $0x38;
	[tilespmem:$0x1C400] =	vst v63  }
0x73: {  	_ =	swait.ge [sflag:s1], $0x4000  }
0x74: {  	[sflag:s1] =	ssyncset.done $0x0  }
0x75: {  	s20 =	rddreg [dreg:$0xd];
	[sflag:s1] =	ssyncadd.s32 $0xFFFFC000  }
0x76: {  	[hbm4b:s20+s21] =	stream.strided.scatter [tilespmem:s26], [sflag:$0xA], $0x4000, s22, s21, $0x38;
	[tilespmem:$0x1C400] =	vst v63  }
0x77: {  	_ =	swait.ge [sflag:s0], $0x4000  }
0x78: {  	[sflag:s0] =	ssyncset.done $0x0  }
0x79: {  	s11 =	rddreg [dreg:$0xe];
	[sflag:s0] =	ssyncadd.s32 $0xFFFFC000  }
0x7a: {  	[tilespmem:s3], [sflag:$0x1] =	stream.strided.gather [hbm4b:s11+s21], $0x4000, s22, s21, $0x38;
	[tilespmem:$0x1C400] =	vst v63  }
0x7b: {  	_ =	swait.ge [sflag:s4], $0x4000  }
0x7c: {  	[sflag:s4] =	ssyncset.done $0x0  }
0x7d: {  	s20 =	rddreg [dreg:$0xf];
	[sflag:s4] =	ssyncadd.s32 $0xFFFFC000  }
0x7e: {  	[hbm4b:s20+s21] =	stream.strided.scatter [tilespmem:s29], [sflag:$0xB], $0x4000, s22, s21, $0x38;
	[tilespmem:$0x1C400] =	vst v63  }
0x7f: {  	_ =	swait.ge [sflag:s5], $0x4000  }
0x80: {  	[sflag:s5] =	ssyncset.done $0x0  }
0x81: {  	s11 =	rddreg [dreg:$0x10];
	[sflag:s5] =	ssyncadd.s32 $0xFFFFC000  }
0x82: {  	[tilespmem:s23], [sflag:$0x2] =	stream.strided.gather [hbm4b:s11+s21], $0x4000, s22, s21, $0x38;
	[tilespmem:$0x1C400] =	vst v63  }
0x83: {  	_ =	swait.ge [sflag:s6], $0x4000  }
0x84: {  	[sflag:s6] =	ssyncset.done $0x0  }
0x85: {  	s20 =	rddreg [dreg:$0x11];
	[sflag:s6] =	ssyncadd.s32 $0xFFFFC000  }
0x86: {  	[hbm4b:s20+s21] =	stream.strided.scatter [tilespmem:s31], [sflag:$0xC], $0x4000, s22, s21, $0x38;
	[tilespmem:$0x1C400] =	vst v63  }
0x87: {  	_ =	swait.ge [sflag:s7], $0x4000  }
0x88: {  	[sflag:s7] =	ssyncset.done $0x0  }
0x89: {  	s11 =	rddreg [dreg:$0x12];
	[sflag:s7] =	ssyncadd.s32 $0xFFFFC000  }
0x8a: {  	[tilespmem:s24], [sflag:$0x3] =	stream.strided.gather [hbm4b:s11+s21], $0x4000, s22, s21, $0x38;
	[tilespmem:$0x1C400] =	vst v63  }
0x8b: {  	_ =	swait.ge [sflag:s25], $0x4000  }
0x8c: {  	[sflag:s25] =	ssyncset.done $0x0  }
0x8d: {  	s20 =	rddreg [dreg:$0x13];
	[sflag:s25] =	ssyncadd.s32 $0xFFFFC000  }
0x8e: {  	[hbm4b:s20+s21] =	stream.strided.scatter [tilespmem:s3], [sflag:$0x7], $0x4000, s22, s21, $0x38;
	[tilespmem:$0x1C400] =	vst v63  }
0x8f: {  	_ =	swait.ge [sflag:s8], $0x4000  }
0x90: {  	[sflag:s8] =	ssyncset.done $0x0  }
0x91: {  	s11 =	rddreg [dreg:$0x16];
	[sflag:s8] =	ssyncadd.s32 $0xFFFFC000  }
0x92: {  	[tilespmem:s26], [sflag:$0x4] =	stream.strided.gather [hbm4b:s11+s21], $0x4000, s22, s21, $0x38;
	[tilespmem:$0x1C400] =	vst v63  }
0x93: {  	_ =	swait.ge [sflag:s28], $0x4000  }
0x94: {  	[sflag:s28] =	ssyncset.done $0x0  }
0x95: {  	s20 =	rddreg [dreg:$0x14];
	[sflag:s28] =	ssyncadd.s32 $0xFFFFC000  }
0x96: {  	[hbm4b:s20+s21] =	stream.strided.scatter [tilespmem:s23], [sflag:$0x8], $0x4000, s22, s21, $0x38;
	[tilespmem:$0x1C400] =	vst v63  }
0x97: {  	_ =	swait.ge [sflag:s9], $0x4000  }
0x98: {  	[sflag:s9] =	ssyncset.done $0x0  }
0x99: {  	s11 =	rddreg [dreg:$0x18];
	[sflag:s9] =	ssyncadd.s32 $0xFFFFC000  }
0x9a: {  	[tilespmem:s29], [sflag:$0x5] =	stream.strided.gather [hbm4b:s11+s21], $0x4000, s22, s21, $0x38;
	[tilespmem:$0x1C400] =	vst v63  }
0x9b: {  	_ =	swait.ge [sflag:s30], $0x4000  }
0x9c: {  	[sflag:s30] =	ssyncset.done $0x0  }
0x9d: {  	s20 =	rddreg [dreg:$0x15];
	[sflag:s30] =	ssyncadd.s32 $0xFFFFC000  }
0x9e: {  	[hbm4b:s20+s21] =	stream.strided.scatter [tilespmem:s24], [sflag:$0x9], $0x4000, s22, s21, $0x38;
	[tilespmem:$0x1C400] =	vst v63  }
0x9f: {  	_ =	swait.ge [sflag:s10], $0x4000  }
0xa0: {  	[sflag:s10] =	ssyncset.done $0x0  }
0xa1: {  	s11 =	rddreg [dreg:$0x1a];
	[sflag:s10] =	ssyncadd.s32 $0xFFFFC000  }
0xa2: {  	[tilespmem:s31], [sflag:$0x6] =	stream.strided.gather [hbm4b:s11+s21], $0x4000, s22, s21, $0x38;
	[tilespmem:$0x1C400] =	vst v63  }
0xa3: {  	_ =	swait.ge [sflag:s1], $0x4000  }
0xa4: {  	[sflag:s1] =	ssyncset.done $0x0  }
0xa5: {  	s20 =	rddreg [dreg:$0x17];
	[sflag:s1] =	ssyncadd.s32 $0xFFFFC000  }
0xa6: {  	[hbm4b:s20+s21] =	stream.strided.scatter [tilespmem:s26], [sflag:$0xA], $0x4000, s22, s21, $0x38;
	[tilespmem:$0x1C400] =	vst v63  }
0xa7: {  	_ =	swait.ge [sflag:s0], $0x4000  }
0xa8: {  	[sflag:s0] =	ssyncset.done $0x0  }
0xa9: {  	s11 =	rddreg [dreg:$0x1c];
	[sflag:s0] =	ssyncadd.s32 $0xFFFFC000  }
0xaa: {  	[tilespmem:s3], [sflag:$0x1] =	stream.strided.gather [hbm4b:s11+s21], $0x4000, s22, s21, $0x38;
	[tilespmem:$0x1C400] =	vst v63  }
0xab: {  	_ =	swait.ge [sflag:s4], $0x4000  }
0xac: {  	[sflag:s4] =	ssyncset.done $0x0  }
0xad: {  	s20 =	rddreg [dreg:$0x19];
	[sflag:s4] =	ssyncadd.s32 $0xFFFFC000  }
0xae: {  	[hbm4b:s20+s21] =	stream.strided.scatter [tilespmem:s29], [sflag:$0xB], $0x4000, s22, s21, $0x38;
	[tilespmem:$0x1C400] =	vst v63  }
0xaf: {  	_ =	swait.ge [sflag:s5], $0x4000  }
0xb0: {  	[sflag:s5] =	ssyncset.done $0x0  }
0xb1: {  	s11 =	rddreg [dreg:$0x1e];
	[sflag:s5] =	ssyncadd.s32 $0xFFFFC000  }
0xb2: {  	[tilespmem:s23], [sflag:$0x2] =	stream.strided.gather [hbm4b:s11+s21], $0x4000, s22, s21, $0x38;
	[tilespmem:$0x1C400] =	vst v63  }
0xb3: {  	_ =	swait.ge [sflag:s6], $0x4000  }
0xb4: {  	[sflag:s6] =	ssyncset.done $0x0  }
0xb5: {  	s20 =	rddreg [dreg:$0x1b];
	[sflag:s6] =	ssyncadd.s32 $0xFFFFC000  }
0xb6: {  	[hbm4b:s20+s21] =	stream.strided.scatter [tilespmem:s31], [sflag:$0xC], $0x4000, s22, s21, $0x38;
	[tilespmem:$0x1C400] =	vst v63  }
0xb7: {  	_ =	swait.ge [sflag:s7], $0x4000  }
0xb8: {  	s11 =	sld [smem:$0x7D8]  }
0xb9: {  	[sflag:s7] =	ssyncset.done $0x0  }
0xba: {  	[sflag:s7] =	ssyncadd.s32 $0xFFFFC000  }
0xbb: {  	[tilespmem:s24], [sflag:$0x3] =	stream.strided.gather [hbm4b:s11+s21], $0x4000, s22, s21, $0x38;
	[tilespmem:$0x1C400] =	vst v63  }
0xbc: {  	_ =	swait.ge [sflag:s25], $0x4000  }
0xbd: {  	[sflag:s25] =	ssyncset.done $0x0  }
0xbe: {  	s20 =	rddreg [dreg:$0x1d];
	[sflag:s25] =	ssyncadd.s32 $0xFFFFC000  }
0xbf: {  	[hbm4b:s20+s21] =	stream.strided.scatter [tilespmem:s3], [sflag:$0x7], $0x4000, s22, s21, $0x38;
	[tilespmem:$0x1C400] =	vst v63  }
0xc0: {  	_ =	swait.ge [sflag:s8], $0x4000  }
0xc1: {  	s11 =	sld [smem:$0x7DA]  }
0xc2: {  	[sflag:s8] =	ssyncset.done $0x0  }
0xc3: {  	[sflag:s8] =	ssyncadd.s32 $0xFFFFC000  }
0xc4: {  	[tilespmem:s26], [sflag:$0x4] =	stream.strided.gather [hbm4b:s11+s21], $0x4000, s22, s21, $0x38;
	[tilespmem:$0x1C400] =	vst v63  }
0xc5: {  	_ =	swait.ge [sflag:s28], $0x4000  }
0xc6: {  	[sflag:s28] =	ssyncset.done $0x0  }
0xc7: {  	s20 =	rddreg [dreg:$0x1f];
	[sflag:s28] =	ssyncadd.s32 $0xFFFFC000  }
0xc8: {  	[hbm4b:s20+s21] =	stream.strided.scatter [tilespmem:s23], [sflag:$0x8], $0x4000, s22, s21, $0x38;
	[tilespmem:$0x1C400] =	vst v63  }
0xc9: {  	_ =	swait.ge [sflag:s9], $0x4000  }
0xca: {  	s11 =	sld [smem:$0x7DC]  }
0xcb: {  	[sflag:s9] =	ssyncset.done $0x0  }
0xcc: {  	[sflag:s9] =	ssyncadd.s32 $0xFFFFC000  }
0xcd: {  	[tilespmem:s29], [sflag:$0x5] =	stream.strided.gather [hbm4b:s11+s21], $0x4000, s22, s21, $0x38;
	[tilespmem:$0x1C400] =	vst v63  }
0xce: {  	_ =	swait.ge [sflag:s30], $0x4000  }
0xcf: {  	s20 =	sld [smem:$0x7D9]  }
0xd0: {  	[sflag:s30] =	ssyncset.done $0x0  }
0xd1: {  	[sflag:s30] =	ssyncadd.s32 $0xFFFFC000  }
0xd2: {  	[hbm4b:s20+s21] =	stream.strided.scatter [tilespmem:s24], [sflag:$0x9], $0x4000, s22, s21, $0x38;
	[tilespmem:$0x1C400] =	vst v63  }
0xd3: {  	_ =	swait.ge [sflag:s10], $0x4000  }
0xd4: {  	s11 =	sld [smem:$0x7DE]  }
0xd5: {  	[sflag:s10] =	ssyncset.done $0x0  }
0xd6: {  	[sflag:s10] =	ssyncadd.s32 $0xFFFFC000  }
0xd7: {  	[tilespmem:s31], [sflag:$0x6] =	stream.strided.gather [hbm4b:s11+s21], $0x4000, s22, s21, $0x38;
	[tilespmem:$0x1C400] =	vst v63  }
0xd8: {  	_ =	swait.ge [sflag:s1], $0x4000  }
0xd9: {  	s20 =	sld [smem:$0x7DB]  }
0xda: {  	[sflag:s1] =	ssyncset.done $0x0  }
0xdb: {  	[sflag:s1] =	ssyncadd.s32 $0xFFFFC000  }
0xdc: {  	[hbm4b:s20+s21] =	stream.strided.scatter [tilespmem:s26], [sflag:$0xA], $0x4000, s22, s21, $0x38;
	[tilespmem:$0x1C400] =	vst v63  }
0xdd: {  	_ =	swait.ge [sflag:s0], $0x4000  }
0xde: {  	s11 =	sld [smem:$0x7E0]  }
0xdf: {  	[sflag:s0] =	ssyncset.done $0x0  }
0xe0: {  	[sflag:s0] =	ssyncadd.s32 $0xFFFFC000  }
0xe1: {  	[tilespmem:s3], [sflag:$0x1] =	stream.strided.gather [hbm4b:s11+s21], $0x4000, s22, s21, $0x38;
	[tilespmem:$0x1C400] =	vst v63  }
0xe2: {  	_ =	swait.ge [sflag:s4], $0x4000  }
0xe3: {  	s20 =	sld [smem:$0x7DD]  }
0xe4: {  	[sflag:s4] =	ssyncset.done $0x0  }
0xe5: {  	[sflag:s4] =	ssyncadd.s32 $0xFFFFC000  }
0xe6: {  	[hbm4b:s20+s21] =	stream.strided.scatter [tilespmem:s29], [sflag:$0xB], $0x4000, s22, s21, $0x38;
	[tilespmem:$0x1C400] =	vst v63  }
0xe7: {  	_ =	swait.ge [sflag:s5], $0x4000  }
0xe8: {  	s11 =	sld [smem:$0x7E2]  }
0xe9: {  	[sflag:s5] =	ssyncset.done $0x0  }
0xea: {  	[sflag:s5] =	ssyncadd.s32 $0xFFFFC000  }
0xeb: {  	[tilespmem:s23], [sflag:$0x2] =	stream.strided.gather [hbm4b:s11+s21], $0x4000, s22, s21, $0x38;
	[tilespmem:$0x1C400] =	vst v63  }
0xec: {  	_ =	swait.ge [sflag:s6], $0x4000  }
0xed: {  	s20 =	sld [smem:$0x7DF]  }
0xee: {  	[sflag:s6] =	ssyncset.done $0x0  }
0xef: {  	[sflag:s6] =	ssyncadd.s32 $0xFFFFC000  }
0xf0: {  	[hbm4b:s20+s21] =	stream.strided.scatter [tilespmem:s31], [sflag:$0xC], $0x4000, s22, s21, $0x38;
	[tilespmem:$0x1C400] =	vst v63  }
0xf1: {  	_ =	swait.ge [sflag:s7], $0x4000  }
0xf2: {  	s11 =	sld [smem:$0x7E4]  }
0xf3: {  	[sflag:s7] =	ssyncset.done $0x0  }
0xf4: {  	[sflag:s7] =	ssyncadd.s32 $0xFFFFC000  }
0xf5: {  	[tilespmem:s24], [sflag:$0x3] =	stream.strided.gather [hbm4b:s11+s21], $0x4000, s22, s21, $0x38;
	[tilespmem:$0x1C400] =	vst v63  }
0xf6: {  	_ =	swait.ge [sflag:s25], $0x4000  }
0xf7: {  	s20 =	sld [smem:$0x7E1]  }
0xf8: {  	[sflag:s25] =	ssyncset.done $0x0  }
0xf9: {  	[sflag:s25] =	ssyncadd.s32 $0xFFFFC000  }
0xfa: {  	[hbm4b:s20+s21] =	stream.strided.scatter [tilespmem:s3], [sflag:$0x7], $0x4000, s22, s21, $0x38;
	[tilespmem:$0x1C400] =	vst v63  }
0xfb: {  	_ =	swait.ge [sflag:s8], $0x4000  }
0xfc: {  	s11 =	sld [smem:$0x7E6]  }
0xfd: {  	[sflag:s8] =	ssyncset.done $0x0  }
0xfe: {  	[sflag:s8] =	ssyncadd.s32 $0xFFFFC000  }
0xff: {  	[tilespmem:s26], [sflag:$0x4] =	stream.strided.gather [hbm4b:s11+s21], $0x4000, s22, s21, $0x38;
	[tilespmem:$0x1C400] =	vst v63  }
0x100: {  	_ =	swait.ge [sflag:s28], $0x4000  }
0x101: {  	s20 =	sld [smem:$0x7E3]  }
0x102: {  	[sflag:s28] =	ssyncset.done $0x0  }
0x103: {  	[sflag:s28] =	ssyncadd.s32 $0xFFFFC000  }
0x104: {  	[hbm4b:s20+s21] =	stream.strided.scatter [tilespmem:s23], [sflag:$0x8], $0x4000, s22, s21, $0x38;
	[tilespmem:$0x1C400] =	vst v63  }
0x105: {  	_ =	swait.ge [sflag:s9], $0x4000  }
0x106: {  	s11 =	sld [smem:$0x7E8]  }
0x107: {  	[sflag:s9] =	ssyncset.done $0x0  }
0x108: {  	[sflag:s9] =	ssyncadd.s32 $0xFFFFC000  }
0x109: {  	[tilespmem:s29], [sflag:$0x5] =	stream.strided.gather [hbm4b:s11+s21], $0x4000, s22, s21, $0x38;
	[tilespmem:$0x1C400] =	vst v63  }
0x10a: {  	_ =	swait.ge [sflag:s30], $0x4000  }
0x10b: {  	s20 =	sld [smem:$0x7E5]  }
0x10c: {  	[sflag:s30] =	ssyncset.done $0x0  }
0x10d: {  	[sflag:s30] =	ssyncadd.s32 $0xFFFFC000  }
0x10e: {  	[hbm4b:s20+s21] =	stream.strided.scatter [tilespmem:s24], [sflag:$0x9], $0x4000, s22, s21, $0x38;
	[tilespmem:$0x1C400] =	vst v63  }
0x10f: {  	_ =	swait.ge [sflag:s10], $0x4000  }
0x110: {  	s11 =	sld [smem:$0x7EA]  }
0x111: {  	[sflag:s10] =	ssyncset.done $0x0  }
0x112: {  	[sflag:s10] =	ssyncadd.s32 $0xFFFFC000  }
0x113: {  	[tilespmem:s31], [sflag:$0x6] =	stream.strided.gather [hbm4b:s11+s21], $0x4000, s22, s21, $0x38;
	[tilespmem:$0x1C400] =	vst v63  }
0x114: {  	_ =	swait.ge [sflag:s1], $0x4000  }
0x115: {  	s20 =	sld [smem:$0x7E7]  }
0x116: {  	[sflag:s1] =	ssyncset.done $0x0  }
0x117: {  	[sflag:s1] =	ssyncadd.s32 $0xFFFFC000  }
0x118: {  	[hbm4b:s20+s21] =	stream.strided.scatter [tilespmem:s26], [sflag:$0xA], $0x4000, s22, s21, $0x38;
	[tilespmem:$0x1C400] =	vst v63  }
0x119: {  	_ =	swait.ge [sflag:s0], $0x4000  }
0x11a: {  	s11 =	sld [smem:$0x7EC]  }
0x11b: {  	[sflag:s0] =	ssyncset.done $0x0  }
0x11c: {  	[sflag:s0] =	ssyncadd.s32 $0xFFFFC000  }
0x11d: {  	[tilespmem:s3], [sflag:$0x1] =	stream.strided.gather [hbm4b:s11+s21], $0x4000, s22, s21, $0x38;
	[tilespmem:$0x1C400] =	vst v63  }
0x11e: {  	_ =	swait.ge [sflag:s4], $0x4000  }
0x11f: {  	s20 =	sld [smem:$0x7E9]  }
0x120: {  	[sflag:s4] =	ssyncset.done $0x0  }
0x121: {  	[sflag:s4] =	ssyncadd.s32 $0xFFFFC000  }
0x122: {  	[hbm4b:s20+s21] =	stream.strided.scatter [tilespmem:s29], [sflag:$0xB], $0x4000, s22, s21, $0x38;
	[tilespmem:$0x1C400] =	vst v63  }
0x123: {  	_ =	swait.ge [sflag:s5], $0x4000  }
0x124: {  	s11 =	sld [smem:$0x7EE]  }
0x125: {  	[sflag:s5] =	ssyncset.done $0x0  }
0x126: {  	[sflag:s5] =	ssyncadd.s32 $0xFFFFC000  }
0x127: {  	[tilespmem:s23], [sflag:$0x2] =	stream.strided.gather [hbm4b:s11+s21], $0x4000, s22, s21, $0x38;
	[tilespmem:$0x1C400] =	vst v63  }
0x128: {  	_ =	swait.ge [sflag:s6], $0x4000  }
0x129: {  	s20 =	sld [smem:$0x7EB]  }
0x12a: {  	[sflag:s6] =	ssyncset.done $0x0  }
0x12b: {  	[sflag:s6] =	ssyncadd.s32 $0xFFFFC000  }
0x12c: {  	[hbm4b:s20+s21] =	stream.strided.scatter [tilespmem:s31], [sflag:$0xC], $0x4000, s22, s21, $0x38;
	[tilespmem:$0x1C400] =	vst v63  }
0x12d: {  	_ =	swait.ge [sflag:s7], $0x4000  }
0x12e: {  	s11 =	sld [smem:$0x7F0]  }
0x12f: {  	[sflag:s7] =	ssyncset.done $0x0  }
0x130: {  	[sflag:s7] =	ssyncadd.s32 $0xFFFFC000  }
0x131: {  	[tilespmem:s24], [sflag:$0x3] =	stream.strided.gather [hbm4b:s11+s21], $0x4000, s22, s21, $0x38;
	[tilespmem:$0x1C400] =	vst v63  }
0x132: {  	_ =	swait.ge [sflag:s25], $0x4000  }
0x133: {  	s20 =	sld [smem:$0x7ED]  }
0x134: {  	[sflag:s25] =	ssyncset.done $0x0  }
0x135: {  	[sflag:s25] =	ssyncadd.s32 $0xFFFFC000  }
0x136: {  	[hbm4b:s20+s21] =	stream.strided.scatter [tilespmem:s3], [sflag:$0x7], $0x4000, s22, s21, $0x38;
	[tilespmem:$0x1C400] =	vst v63  }
0x137: {  	_ =	swait.ge [sflag:s8], $0x4000  }
0x138: {  	s11 =	sld [smem:$0x7F2]  }
0x139: {  	[sflag:s8] =	ssyncset.done $0x0  }
0x13a: {  	[sflag:s8] =	ssyncadd.s32 $0xFFFFC000  }
0x13b: {  	[tilespmem:s26], [sflag:$0x4] =	stream.strided.gather [hbm4b:s11+s21], $0x4000, s22, s21, $0x38;
	[tilespmem:$0x1C400] =	vst v63  }
0x13c: {  	_ =	swait.ge [sflag:s28], $0x4000  }
0x13d: {  	s20 =	sld [smem:$0x7EF]  }
0x13e: {  	[sflag:s28] =	ssyncset.done $0x0  }
0x13f: {  	[sflag:s28] =	ssyncadd.s32 $0xFFFFC000  }
0x140: {  	[hbm4b:s20+s21] =	stream.strided.scatter [tilespmem:s23], [sflag:$0x8], $0x4000, s22, s21, $0x38;
	[tilespmem:$0x1C400] =	vst v63  }
0x141: {  	_ =	swait.ge [sflag:s9], $0x4000  }
0x142: {  	s11 =	sld [smem:$0x7F4]  }
0x143: {  	[sflag:s9] =	ssyncset.done $0x0  }
0x144: {  	[sflag:s9] =	ssyncadd.s32 $0xFFFFC000  }
0x145: {  	[tilespmem:s29], [sflag:$0x5] =	stream.strided.gather [hbm4b:s11+s21], $0x4000, s22, s21, $0x38;
	[tilespmem:$0x1C400] =	vst v63  }
0x146: {  	_ =	swait.ge [sflag:s30], $0x4000  }
0x147: {  	s20 =	sld [smem:$0x7F1]  }
0x148: {  	[sflag:s30] =	ssyncset.done $0x0  }
0x149: {  	[sflag:s30] =	ssyncadd.s32 $0xFFFFC000  }
0x14a: {  	[hbm4b:s20+s21] =	stream.strided.scatter [tilespmem:s24], [sflag:$0x9], $0x4000, s22, s21, $0x38;
	[tilespmem:$0x1C400] =	vst v63  }
0x14b: {  	_ =	swait.ge [sflag:s10], $0x4000  }
0x14c: {  	s11 =	sld [smem:$0x7F8]  }
0x14d: {  	[sflag:s10] =	ssyncset.done $0x0  }
0x14e: {  	[sflag:s10] =	ssyncadd.s32 $0xFFFFC000  }
0x14f: {  	[tilespmem:s31], [sflag:$0x6] =	stream.strided.gather [hbm4b:s11+s21], $0x4000, s22, s21, $0x38;
	[tilespmem:$0x1C400] =	vst v63  }
0x150: {  	_ =	swait.ge [sflag:s1], $0x4000  }
0x151: {  	s20 =	sld [smem:$0x7F3]  }
0x152: {  	[sflag:s1] =	ssyncset.done $0x0  }
0x153: {  	[sflag:s1] =	ssyncadd.s32 $0xFFFFC000  }
0x154: {  	[hbm4b:s20+s21] =	stream.strided.scatter [tilespmem:s26], [sflag:$0xA], $0x4000, s22, s21, $0x38;
	[tilespmem:$0x1C400] =	vst v63  }
0x155: {  	_ =	swait.ge [sflag:s0], $0x4000  }
0x156: {  	s11 =	sld [smem:$0x7F9]  }
0x157: {  	[sflag:s0] =	ssyncset.done $0x0  }
0x158: {  	[sflag:s0] =	ssyncadd.s32 $0xFFFFC000  }
0x159: {  	[tilespmem:s3], [sflag:$0x1] =	stream.strided.gather [hbm4b:s11+s21], $0x4000, s22, s21, $0x38;
	[tilespmem:$0x1C400] =	vst v63  }
0x15a: {  	_ =	swait.ge [sflag:s4], $0x4000  }
0x15b: {  	s20 =	sld [smem:$0x7F5]  }
0x15c: {  	[sflag:s4] =	ssyncset.done $0x0  }
0x15d: {  	[sflag:s4] =	ssyncadd.s32 $0xFFFFC000  }
0x15e: {  	[hbm4b:s20+s21] =	stream.strided.scatter [tilespmem:s29], [sflag:$0xB], $0x4000, s22, s21, $0x38;
	[tilespmem:$0x1C400] =	vst v63  }
0x15f: {  	_ =	swait.ge [sflag:s5], $0x4000  }
0x160: {  	s11 =	sld [smem:$0x7FA]  }
0x161: {  	[sflag:s5] =	ssyncset.done $0x0  }
0x162: {  	[sflag:s5] =	ssyncadd.s32 $0xFFFFC000  }
0x163: {  	[tilespmem:s23], [sflag:$0x2] =	stream.strided.gather [hbm4b:s11+s21], $0x4000, s22, s21, $0x38;
	[tilespmem:$0x1C400] =	vst v63  }
0x164: {  	_ =	swait.ge [sflag:s6], $0x4000  }
0x165: {  	s20 =	sld [smem:$0x7FB]  }
0x166: {  	[sflag:s6] =	ssyncset.done $0x0  }
0x167: {  	[sflag:s6] =	ssyncadd.s32 $0xFFFFC000  }
0x168: {  	[hbm4b:s20+s21] =	stream.strided.scatter [tilespmem:s31], [sflag:$0xC], $0x4000, s22, s21, $0x38;
	[tilespmem:$0x1C400] =	vst v63  }
0x169: {  	_ =	swait.ge [sflag:s25], $0x4000  }
0x16a: {  	s11 =	sld [smem:$0x7FC]  }
0x16b: {  	[sflag:s25] =	ssyncset.done $0x0  }
0x16c: {  	[sflag:s25] =	ssyncadd.s32 $0xFFFFC000  }
0x16d: {  	[hbm4b:s11+s21] =	stream.strided.scatter [tilespmem:s3], [sflag:$0x7], $0x4000, s22, s21, $0x38;
	[tilespmem:$0x1C400] =	vst v63  }
0x16e: {  	_ =	swait.ge [sflag:s28], $0x4000  }
0x16f: {  	s20 =	sld [smem:$0x7FD]  }
0x170: {  	[sflag:s28] =	ssyncset.done $0x0  }
0x171: {  	[sflag:s28] =	ssyncadd.s32 $0xFFFFC000  }
0x172: {  	[hbm4b:s20+s21] =	stream.strided.scatter [tilespmem:s23], [sflag:$0x8], $0x4000, s22, s21, $0x38;
	[tilespmem:$0x1C400] =	vst v63  }
0x173: {  	_ =	swait.ge [sflag:s0], $0x4000  }
0x174: {  	[sflag:s0] =	ssyncset.done $0x0  }
0x175: {  	[sflag:s0] =	ssyncadd.s32 $0xFFFFC000  }
0x176: {  	_ =	swait.ge [sflag:s5], $0x4000  }
0x177: {  	[sflag:s5] =	ssyncset.done $0x0  }
0x178: {  	[sflag:s5] =	ssyncadd.s32 $0xFFFFC000  }
0x179: {  	_ =	swait.ge [sflag:s7], $0x4000  }
0x17a: {  	[sflag:s7] =	ssyncset.done $0x0  }
0x17b: {  	[sflag:s7] =	ssyncadd.s32 $0xFFFFC000  }
0x17c: {  	_ =	swait.ge [sflag:s8], $0x4000  }
0x17d: {  	[sflag:s8] =	ssyncset.done $0x0  }
0x17e: {  	[sflag:s8] =	ssyncadd.s32 $0xFFFFC000  }
0x17f: {  	_ =	swait.ge [sflag:s9], $0x4000  }
0x180: {  	[sflag:s9] =	ssyncset.done $0x0  }
0x181: {  	[sflag:s9] =	ssyncadd.s32 $0xFFFFC000  }
0x182: {  	_ =	swait.ge [sflag:s10], $0x4000  }
0x183: {  	[sflag:s10] =	ssyncset.done $0x0  }
0x184: {  	[sflag:s10] =	ssyncadd.s32 $0xFFFFC000  }
0x185: {  	v2 =	vld.msk @!p0 [tilespmem:$0x1C000], $0xf;
	_ =	sdelay $0x4  }
0x186: {  	v3 =	vshll.u32 @!p0 v2, $0x5  }
0x187: {  	v4 =	vlaneseq.u32 @!p0;
	v2 =	vand.u32 @!p0 $0x7, v2;
	v3 =	vand.u32 @!p0 $0xFFFFFF00, v3  }
0x188: {  	v2 =	vor.u32 @!p0 v2, v3;
	v3 =	vand.u32 @!p0 $0x3, v4;
	v4 =	vshrl.u32 @!p0 v4, $0x2  }
0x189: {  	v2 =	vperm.xlane @!p0 v2, v3;
	v3 =	vmul.u32 @!p0 $0x8, v4;
	_ =	sdelay $0x1  }
0x18a: {  	v2 =	vadd.s32 @!p0 v3, v2;
	_ =	sdelay $0x3  }
0x18b: {  	s2 =	simm.s32 @!p0 $0x18000;
	s11 =	simm.s32 @!p0 $0x0;
	s20 =	rddreg [dreg:$0x2]  }
0x18c: {  	[hbm4b:s20+s11] =	stream.indirect_vreg.scatter @!p0 [tilespmem:s2], [sflag:$0xD], $0x80, v2, vm0, $0xb8;
	[tilespmem:$0x1C400] =	vst v63  }
0x18d: {  	s2 =	simm.s32 @!p0 $0x18800  }
0x18e: {  	[hbm4b:s13+s11] =	stream.indirect_vreg.scatter @!p0 [tilespmem:s2], [sflag:$0xD], $0x80, v2, vm0, $0xb8;
	[tilespmem:$0x1C400] =	vst v63  }
0x18f: {  	s2 =	simm.s32 @!p0 $0x19000  }
0x190: {  	[hbm4b:s14+s11] =	stream.indirect_vreg.scatter @!p0 [tilespmem:s2], [sflag:$0xD], $0x80, v2, vm0, $0xb8;
	[tilespmem:$0x1C400] =	vst v63  }
0x191: {  	s2 =	simm.s32 @!p0 $0x19800  }
0x192: {  	[hbm4b:s15+s11] =	stream.indirect_vreg.scatter @!p0 [tilespmem:s2], [sflag:$0xD], $0x80, v2, vm0, $0xb8;
	[tilespmem:$0x1C400] =	vst v63  }
0x193: {  	s2 =	simm.s32 @!p0 $0x1A000  }
0x194: {  	[hbm4b:s16+s11] =	stream.indirect_vreg.scatter @!p0 [tilespmem:s2], [sflag:$0xD], $0x80, v2, vm0, $0xb8;
	[tilespmem:$0x1C400] =	vst v63  }
0x195: {  	s2 =	simm.s32 @!p0 $0x1A800  }
0x196: {  	[hbm4b:s17+s11] =	stream.indirect_vreg.scatter @!p0 [tilespmem:s2], [sflag:$0xD], $0x80, v2, vm0, $0xb8;
	[tilespmem:$0x1C400] =	vst v63  }
0x197: {  	s2 =	simm.s32 @!p0 $0x1B000  }
0x198: {  	[hbm4b:s18+s11] =	stream.indirect_vreg.scatter @!p0 [tilespmem:s2], [sflag:$0xD], $0x80, v2, vm0, $0xb8;
	[tilespmem:$0x1C400] =	vst v63  }
0x199: {  	s2 =	simm.s32 @!p0 $0x1B800  }
0x19a: {  	[hbm4b:s19+s11] =	stream.indirect_vreg.scatter @!p0 [tilespmem:s2], [sflag:$0xD], $0x80, v2, vm0, $0xb8;
	[tilespmem:$0x1C400] =	vst v63  }
0x19b: {  	s2 =	simm.s32 @!p0 $0xD  }
0x19c: {  	_ =	swait.ge @!p0 [sflag:s2], $0x4000  }
0x19d: {  	[sflag:s2] =	ssyncset.done @!p0 $0x0  }
0x19e: {  	[sflag:s2] =	ssyncadd.s32 @!p0 $0xFFFFC000  }
0x19f: {  	v2 =	vld.msk @!p1 [tilespmem:$0x1C080], $0xf;
	_ =	sdelay $0x4  }
0x1a0: {  	v3 =	vshll.u32 @!p1 v2, $0x5  }
0x1a1: {  	v4 =	vlaneseq.u32 @!p1;
	v2 =	vand.u32 @!p1 $0x7, v2;
	v3 =	vand.u32 @!p1 $0xFFFFFF00, v3  }
0x1a2: {  	v2 =	vor.u32 @!p1 v2, v3;
	v3 =	vand.u32 @!p1 $0x3, v4;
	v4 =	vshrl.u32 @!p1 v4, $0x2  }
0x1a3: {  	v2 =	vperm.xlane @!p1 v2, v3;
	v3 =	vmul.u32 @!p1 $0x8, v4;
	_ =	sdelay $0x1  }
0x1a4: {  	v2 =	vadd.s32 @!p1 v3, v2;
	_ =	sdelay $0x3  }
0x1a5: {  	s11 =	simm.s32 @!p1 $0x18000;
	s2 =	simm.s32 @!p1 $0x0  }
0x1a6: {  	[hbm4b:s20+s2] =	stream.indirect_vreg.scatter @!p1 [tilespmem:s11], [sflag:$0xD], $0x80, v2, vm1, $0xb8;
	[tilespmem:$0x1C400] =	vst v63  }
0x1a7: {  	s11 =	simm.s32 @!p1 $0x18800  }
0x1a8: {  	[hbm4b:s13+s2] =	stream.indirect_vreg.scatter @!p1 [tilespmem:s11], [sflag:$0xD], $0x80, v2, vm1, $0xb8;
	[tilespmem:$0x1C400] =	vst v63  }
0x1a9: {  	s11 =	simm.s32 @!p1 $0x19000  }
0x1aa: {  	[hbm4b:s14+s2] =	stream.indirect_vreg.scatter @!p1 [tilespmem:s11], [sflag:$0xD], $0x80, v2, vm1, $0xb8;
	[tilespmem:$0x1C400] =	vst v63  }
0x1ab: {  	s11 =	simm.s32 @!p1 $0x19800  }
0x1ac: {  	[hbm4b:s15+s2] =	stream.indirect_vreg.scatter @!p1 [tilespmem:s11], [sflag:$0xD], $0x80, v2, vm1, $0xb8;
	[tilespmem:$0x1C400] =	vst v63  }
0x1ad: {  	s11 =	simm.s32 @!p1 $0x1A000  }
0x1ae: {  	[hbm4b:s16+s2] =	stream.indirect_vreg.scatter @!p1 [tilespmem:s11], [sflag:$0xD], $0x80, v2, vm1, $0xb8;
	[tilespmem:$0x1C400] =	vst v63  }
0x1af: {  	s11 =	simm.s32 @!p1 $0x1A800  }
0x1b0: {  	[hbm4b:s17+s2] =	stream.indirect_vreg.scatter @!p1 [tilespmem:s11], [sflag:$0xD], $0x80, v2, vm1, $0xb8;
	[tilespmem:$0x1C400] =	vst v63  }
0x1b1: {  	s11 =	simm.s32 @!p1 $0x1B000  }
0x1b2: {  	[hbm4b:s18+s2] =	stream.indirect_vreg.scatter @!p1 [tilespmem:s11], [sflag:$0xD], $0x80, v2, vm1, $0xb8;
	[tilespmem:$0x1C400] =	vst v63  }
0x1b3: {  	s11 =	simm.s32 @!p1 $0x1B800  }
0x1b4: {  	[hbm4b:s19+s2] =	stream.indirect_vreg.scatter @!p1 [tilespmem:s11], [sflag:$0xD], $0x80, v2, vm1, $0xb8;
	[tilespmem:$0x1C400] =	vst v63  }
0x1b5: {  	s2 =	simm.s32 @!p1 $0xD  }
0x1b6: {  	_ =	swait.ge @!p1 [sflag:s2], $0x4000  }
0x1b7: {  	[sflag:s2] =	ssyncset.done @!p1 $0x0  }
0x1b8: {  	[sflag:s2] =	ssyncadd.s32 @!p1 $0xFFFFC000  }
0x1b9: {  	v2 =	vld.msk @!p2 [tilespmem:$0x1C100], $0xf;
	_ =	sdelay $0x4  }
0x1ba: {  	v3 =	vshll.u32 @!p2 v2, $0x5  }
0x1bb: {  	v4 =	vlaneseq.u32 @!p2;
	v2 =	vand.u32 @!p2 $0x7, v2;
	v3 =	vand.u32 @!p2 $0xFFFFFF00, v3  }
0x1bc: {  	v2 =	vor.u32 @!p2 v2, v3;
	v3 =	vand.u32 @!p2 $0x3, v4;
	v4 =	vshrl.u32 @!p2 v4, $0x2  }
0x1bd: {  	v2 =	vperm.xlane @!p2 v2, v3;
	v3 =	vmul.u32 @!p2 $0x8, v4;
	_ =	sdelay $0x1  }
0x1be: {  	v2 =	vadd.s32 @!p2 v3, v2;
	_ =	sdelay $0x3  }
0x1bf: {  	s11 =	simm.s32 @!p2 $0x18000;
	s2 =	simm.s32 @!p2 $0x0  }
0x1c0: {  	[hbm4b:s20+s2] =	stream.indirect_vreg.scatter @!p2 [tilespmem:s11], [sflag:$0xD], $0x80, v2, vm2, $0xb8;
	[tilespmem:$0x1C400] =	vst v63  }
0x1c1: {  	s11 =	simm.s32 @!p2 $0x18800  }
0x1c2: {  	[hbm4b:s13+s2] =	stream.indirect_vreg.scatter @!p2 [tilespmem:s11], [sflag:$0xD], $0x80, v2, vm2, $0xb8;
	[tilespmem:$0x1C400] =	vst v63  }
0x1c3: {  	s11 =	simm.s32 @!p2 $0x19000  }
0x1c4: {  	[hbm4b:s14+s2] =	stream.indirect_vreg.scatter @!p2 [tilespmem:s11], [sflag:$0xD], $0x80, v2, vm2, $0xb8;
	[tilespmem:$0x1C400] =	vst v63  }
0x1c5: {  	s11 =	simm.s32 @!p2 $0x19800  }
0x1c6: {  	[hbm4b:s15+s2] =	stream.indirect_vreg.scatter @!p2 [tilespmem:s11], [sflag:$0xD], $0x80, v2, vm2, $0xb8;
	[tilespmem:$0x1C400] =	vst v63  }
0x1c7: {  	s11 =	simm.s32 @!p2 $0x1A000  }
0x1c8: {  	[hbm4b:s16+s2] =	stream.indirect_vreg.scatter @!p2 [tilespmem:s11], [sflag:$0xD], $0x80, v2, vm2, $0xb8;
	[tilespmem:$0x1C400] =	vst v63  }
0x1c9: {  	s11 =	simm.s32 @!p2 $0x1A800  }
0x1ca: {  	[hbm4b:s17+s2] =	stream.indirect_vreg.scatter @!p2 [tilespmem:s11], [sflag:$0xD], $0x80, v2, vm2, $0xb8;
	[tilespmem:$0x1C400] =	vst v63  }
0x1cb: {  	s11 =	simm.s32 @!p2 $0x1B000  }
0x1cc: {  	[hbm4b:s18+s2] =	stream.indirect_vreg.scatter @!p2 [tilespmem:s11], [sflag:$0xD], $0x80, v2, vm2, $0xb8;
	[tilespmem:$0x1C400] =	vst v63  }
0x1cd: {  	s11 =	simm.s32 @!p2 $0x1B800  }
0x1ce: {  	[hbm4b:s19+s2] =	stream.indirect_vreg.scatter @!p2 [tilespmem:s11], [sflag:$0xD], $0x80, v2, vm2, $0xb8;
	[tilespmem:$0x1C400] =	vst v63  }
.Ltmp2:
0x1cf: {  	_ = 	snop;
	(pc) =	sbr.rel @p4 .LBB2_3-.Ltmp2, $4  }
0x1d0: {  	s2 =	simm.s32 @!p2 $0xD  }
0x1d1: {  	_ =	swait.ge @!p2 [sflag:s2], $0x4000  }
0x1d2: {  	[sflag:s2] =	ssyncset.done @!p2 $0x0  }
0x1d3: {  	[sflag:s2] =	ssyncadd.s32 @!p2 $0xFFFFC000  }
0x1d4: {  	v2 =	vld.msk [tilespmem:$0x1C180], $0xf;
	_ =	sdelay $0x4  }
0x1d5: {  	v3 =	vshll.u32 v2, $0x5  }
0x1d6: {  	v2 =	vand.u32 $0x7, v2;
	v3 =	vand.u32 $0xFFFFFF00, v3  }
0x1d7: {  	v2 =	vor.u32 v2, v3  }
0x1d8: {  	v2 =	vperm.xlane v2, v0;
	_ =	sdelay $0x1  }
0x1d9: {  	v2 =	vadd.s32 v1, v2;
	_ =	sdelay $0x3  }
0x1da: {  	s20 =	rddreg [dreg:$0x2];
	s2 =	simm.s32 $0x18000  }
0x1db: {  	[hbm4b:s20+s3] =	stream.indirect_vreg.scatter [tilespmem:s2], [sflag:$0xD], $0x80, v2, vm3, $0xb8;
	[tilespmem:$0x1C400] =	vst v63  }
0x1dc: {  	s11 =	simm.s32 $0x18800  }
0x1dd: {  	[hbm4b:s13+s3] =	stream.indirect_vreg.scatter [tilespmem:s11], [sflag:$0xD], $0x80, v2, vm3, $0xb8;
	[tilespmem:$0x1C400] =	vst v63  }
0x1de: {  	s11 =	simm.s32 $0x19000  }
0x1df: {  	[hbm4b:s14+s3] =	stream.indirect_vreg.scatter [tilespmem:s11], [sflag:$0xD], $0x80, v2, vm3, $0xb8;
	[tilespmem:$0x1C400] =	vst v63  }
0x1e0: {  	s11 =	simm.s32 $0x19800  }
0x1e1: {  	[hbm4b:s15+s3] =	stream.indirect_vreg.scatter [tilespmem:s11], [sflag:$0xD], $0x80, v2, vm3, $0xb8;
	[tilespmem:$0x1C400] =	vst v63  }
0x1e2: {  	s11 =	simm.s32 $0x1A000  }
0x1e3: {  	[hbm4b:s16+s3] =	stream.indirect_vreg.scatter [tilespmem:s11], [sflag:$0xD], $0x80, v2, vm3, $0xb8;
	[tilespmem:$0x1C400] =	vst v63  }
0x1e4: {  	s11 =	simm.s32 $0x1A800  }
0x1e5: {  	[hbm4b:s17+s3] =	stream.indirect_vreg.scatter [tilespmem:s11], [sflag:$0xD], $0x80, v2, vm3, $0xb8;
	[tilespmem:$0x1C400] =	vst v63  }
0x1e6: {  	s11 =	simm.s32 $0x1B000  }
0x1e7: {  	[hbm4b:s18+s3] =	stream.indirect_vreg.scatter [tilespmem:s11], [sflag:$0xD], $0x80, v2, vm3, $0xb8;
	[tilespmem:$0x1C400] =	vst v63  }
0x1e8: {  	s11 =	simm.s32 $0x1B800  }
0x1e9: {  	[hbm4b:s19+s3] =	stream.indirect_vreg.scatter [tilespmem:s11], [sflag:$0xD], $0x80, v2, vm3, $0xb8;
	[tilespmem:$0x1C400] =	vst v63  }
0x1ea: {  	s11 =	simm.s32 $0xD  }
0x1eb: {  	_ =	swait.ge [sflag:s11], $0x4000  }
0x1ec: {  	[sflag:s11] =	ssyncset.done $0x0  }
0x1ed: {  	[sflag:s11] =	ssyncadd.s32 $0xFFFFC000  }
0x1ee: {  	v2 =	vld.msk @!p3 [tilespmem:$0x1C200], $0xf;
	_ =	sdelay $0x4  }
0x1ef: {  	v3 =	vshll.u32 @!p3 v2, $0x5  }
0x1f0: {  	v4 =	vlaneseq.u32 @!p3;
	v2 =	vand.u32 @!p3 $0x7, v2;
	v3 =	vand.u32 @!p3 $0xFFFFFF00, v3  }
0x1f1: {  	v2 =	vor.u32 @!p3 v2, v3;
	v3 =	vand.u32 @!p3 $0x3, v4;
	v4 =	vshrl.u32 @!p3 v4, $0x2  }
0x1f2: {  	v2 =	vperm.xlane @!p3 v2, v3;
	v3 =	vmul.u32 @!p3 $0x8, v4;
	_ =	sdelay $0x1  }
0x1f3: {  	v2 =	vadd.s32 @!p3 v3, v2;
	_ =	sdelay $0x3  }
0x1f4: {  	s2 =	simm.s32 @!p3 $0x0;
	s11 =	simm.s32 @!p3 $0x18000  }
0x1f5: {  	[hbm4b:s20+s2] =	stream.indirect_vreg.scatter @!p3 [tilespmem:s11], [sflag:$0xD], $0x80, v2, vm4, $0xb8;
	[tilespmem:$0x1C400] =	vst v63  }
0x1f6: {  	s11 =	simm.s32 @!p3 $0x18800  }
0x1f7: {  	[hbm4b:s13+s2] =	stream.indirect_vreg.scatter @!p3 [tilespmem:s11], [sflag:$0xD], $0x80, v2, vm4, $0xb8;
	[tilespmem:$0x1C400] =	vst v63  }
0x1f8: {  	s11 =	simm.s32 @!p3 $0x19000  }
0x1f9: {  	[hbm4b:s14+s2] =	stream.indirect_vreg.scatter @!p3 [tilespmem:s11], [sflag:$0xD], $0x80, v2, vm4, $0xb8;
	[tilespmem:$0x1C400] =	vst v63  }
0x1fa: {  	s11 =	simm.s32 @!p3 $0x19800  }
0x1fb: {  	[hbm4b:s15+s2] =	stream.indirect_vreg.scatter @!p3 [tilespmem:s11], [sflag:$0xD], $0x80, v2, vm4, $0xb8;
	[tilespmem:$0x1C400] =	vst v63  }
0x1fc: {  	s11 =	simm.s32 @!p3 $0x1A000  }
0x1fd: {  	[hbm4b:s16+s2] =	stream.indirect_vreg.scatter @!p3 [tilespmem:s11], [sflag:$0xD], $0x80, v2, vm4, $0xb8;
	[tilespmem:$0x1C400] =	vst v63  }
0x1fe: {  	s11 =	simm.s32 @!p3 $0x1A800  }
0x1ff: {  	[hbm4b:s17+s2] =	stream.indirect_vreg.scatter @!p3 [tilespmem:s11], [sflag:$0xD], $0x80, v2, vm4, $0xb8;
	[tilespmem:$0x1C400] =	vst v63  }
0x200: {  	s11 =	simm.s32 @!p3 $0x1B000  }
0x201: {  	[hbm4b:s18+s2] =	stream.indirect_vreg.scatter @!p3 [tilespmem:s11], [sflag:$0xD], $0x80, v2, vm4, $0xb8;
	[tilespmem:$0x1C400] =	vst v63  }
0x202: {  	s11 =	simm.s32 @!p3 $0x1B800  }
0x203: {  	[hbm4b:s19+s2] =	stream.indirect_vreg.scatter @!p3 [tilespmem:s11], [sflag:$0xD], $0x80, v2, vm4, $0xb8;
	[tilespmem:$0x1C400] =	vst v63  }
.Ltmp3:
0x204: {  	_ = 	snop;
	(pc) =	sbr.rel .LBB2_3-.Ltmp3, $4  }
0x205: {  	s2 =	simm.s32 @!p3 $0xD  }
0x206: {  	_ =	swait.ge @!p3 [sflag:s2], $0x4000  }
0x207: {  	[sflag:s2] =	ssyncset.done @!p3 $0x0  }
0x208: {  	[sflag:s2] =	ssyncadd.s32 @!p3 $0xFFFFC000  }
.LBB2_4:
0x209: {  	_ =	sfence.sel $0x180000  }
0x20a: {  	[bflag:$0x0] =	sbarrier.arrive $0xFFFF  }
0x20b: {  	_ =	strace $0x90000047  }
0x20c: {  	s0 =	stileid.u32;
	[bflag:$0x2] =	sbarrier.arrive $0xFFFF  }
0x20d: {  	p0 =	sne.s32 s0, $0x0;
	s0 =	rddreg [dreg:$0x3]  }
0x20e: {  	s0 =	sadd.s32 @!p0 $0x100000, s0  }
0x20f: {  	[sflag:s0] =	ssyncadd.tile.s32 @!p0 $0x1;
	_ =	shalt  }
.Lfunc_end2:
_tile_overlayer_lowered:
.L_overlay_start_2:
0x210: {  	(tag) =	ssettag $0x2  }
0x211: {  	s0 =	rddreg [dreg:$0x0];
	s2 =	stileid.u32  }
0x212: {  	s1 =	rddreg [dreg:$0x1];
	p0 =	sne.s32 s2, $0x0  }
0x213: {  	s3 =	rddreg [dreg:$0x2];
	[bflag:$0x3] =	sbarrier.arrive $0xFFFF;
	s2 =	simm.s32 @!p0 $0x1C0D  }
0x214: {  	[timem:s3], [sflag:s2] =	dma.local @!p0 [hbm:s0], s1  }
0x215: {  	s0 =	simm.s32 @!p0 $0xD  }
0x216: {  	_ =	swait.ge @!p0 [sflag:s0], s1  }
0x217: {  	s1 =	ssub.s32 @!p0 $0x0, s1;
	[sflag:s0] =	ssyncset.done @!p0 $0x0  }
0x218: {  	[sflag:s0] =	ssyncadd.s32 @!p0 s1  }
0x219: {  	[bflag:$0x3] =	sbarrier.arrive $0xFFFF  }
0x21a: {  	_ =	shalt  }

</sc_bundles>
